<compile_context>
chip_gen: v7x
topology: tpu7x:2x2x1
jax: 0.10.2.dev20260603
libtpu: 0.0.44.dev20260713+nightly
codegen_flags: <defaults>
</compile_context>

<pallas_src>
import functools

import jax
import jax.numpy as jnp
from jax import lax
from jax.experimental import pallas as pl
from jax.experimental.pallas import tpu as pltpu
from jax.experimental.pallas import tpu_sc as plsc

N = 10000
D = 128
E = 160000
NE = 8
BN = float(1.0 / (1.0 + 1e-5) ** 0.5)
NC = 2
NS = 16
NW = NC * NS
NP = 10240
EP = 163840
CH = 128
DNCH = EP // NW // CH
PNCH = EP // NS // CH
RPT = NP // NS
DH = D // NC

BLK = 2000
NB = N // BLK


def _sc_mesh():
    return plsc.VectorSubcoreMesh(core_axis_name="c", subcore_axis_name="s")


def _deg_kernel(dstp_hbm, zrow_hbm, out_hbm, idx_v, ones_v, shared,
                sem0, sem1):
    cid = lax.axis_index("c")
    sid = lax.axis_index("s")
    wid = sid * NC + cid

    def _ones(i, carry):
        ones_v[pl.ds(i * 16, 16)] = jnp.ones((16,), jnp.float32)
        return carry

    lax.fori_loop(0, CH // 16, _ones, 0)

    row0 = pl.multiple_of(sid * RPT, 8)
    pltpu.sync_copy(zrow_hbm, shared.at[pl.ds(row0, RPT)])
    pltpu.sync_copy(dstp_hbm.at[wid], idx_v)
    plsc.subcore_barrier()

    sems = [sem0, sem1]
    pltpu.async_copy(ones_v, shared.at[idx_v.at[0]], sem0, add=True)
    pltpu.async_copy(ones_v, shared.at[idx_v.at[1]], sem1, add=True)

    def _body(g, carry):
        for b in range(2):
            k = 2 * g + b
            pltpu.make_async_copy(ones_v, shared.at[idx_v.at[k]],
                                  sems[b]).wait()

            @pl.when(k + 2 < DNCH)
            def _():
                pltpu.async_copy(ones_v, shared.at[idx_v.at[k + 2]], sems[b],
                                 add=True)
        return carry

    lax.fori_loop(0, DNCH // 2, _body, 0)
    plsc.subcore_barrier()
    pltpu.sync_copy(shared.at[pl.ds(row0, RPT)],
                    out_hbm.at[cid, pl.ds(row0, RPT)])


def _deg_call(dstp3):
    zrow = jnp.zeros((RPT,), jnp.float32)
    return pl.kernel(
        _deg_kernel,
        out_type=jax.ShapeDtypeStruct((NC, NP), jnp.float32),
        mesh=_sc_mesh(),
        scratch_types=[
            pltpu.VMEM((DNCH, CH), jnp.int32),
            pltpu.VMEM((CH,), jnp.float32),
            pltpu.VMEM_SHARED((NP,), jnp.float32),
            pltpu.SemaphoreType.DMA,
            pltpu.SemaphoreType.DMA,
        ],
    )(dstp3, zrow)


def _prop_kernel(srcp_hbm, dstp_hbm, yrf_hbm, zfull_hbm, out_hbm,
                 sidx_v, didx_v, rows0_v, rows1_v, rows2_v, rows3_v, rows4_v,
                 shared, gsem0, gsem1, gsem2, gsem3, gsem4,
                 ssem0, ssem1, ssem2, ssem3, ssem4):
    cid = lax.axis_index("c")
    sid = lax.axis_index("s")

    row0 = pl.multiple_of(sid * RPT, 8)
    pltpu.sync_copy(zfull_hbm, rows0_v)
    for j in range(RPT // CH):
        pltpu.sync_copy(rows0_v,
                        shared.at[pl.ds(pl.multiple_of(row0 + j * CH, 8), CH)])
    pltpu.sync_copy(srcp_hbm.at[cid, sid], sidx_v)
    pltpu.sync_copy(dstp_hbm.at[sid], didx_v)
    plsc.subcore_barrier()

    rows = [rows0_v, rows1_v, rows2_v, rows3_v, rows4_v]
    gsems = [gsem0, gsem1, gsem2, gsem3, gsem4]
    ssems = [ssem0, ssem1, ssem2, ssem3, ssem4]

    pltpu.async_copy(yrf_hbm.at[sidx_v.at[0]], rows[0], gsems[0])
    pltpu.async_copy(yrf_hbm.at[sidx_v.at[1]], rows[1], gsems[1])
    pltpu.async_copy(yrf_hbm.at[sidx_v.at[2]], rows[2], gsems[2])

    def _body(g, carry):
        for b in range(5):
            k = 5 * g + b
            bn = (b + 3) % 5
            pltpu.make_async_copy(yrf_hbm.at[sidx_v.at[k]], rows[b],
                                  gsems[b]).wait()
            pltpu.async_copy(rows[b], shared.at[didx_v.at[k]], ssems[b],
                             add=True)

            @pl.when(k >= 2)
            def _():
                pltpu.make_async_copy(rows[bn], shared.at[didx_v.at[k - 2]],
                                      ssems[bn]).wait()

            @pl.when(k + 3 < PNCH)
            def _():
                pltpu.async_copy(yrf_hbm.at[sidx_v.at[k + 3]], rows[bn],
                                 gsems[bn])
        return carry

    lax.fori_loop(0, PNCH // 5, _body, 0)
    for kk in (PNCH - 2, PNCH - 1):
        pltpu.make_async_copy(rows[kk % 5], shared.at[didx_v.at[kk]],
                              ssems[kk % 5]).wait()
    plsc.subcore_barrier()
    nj = RPT // CH
    for j in range(nj):
        r = pl.multiple_of(row0 + j * CH, 8)
        buf = rows[j % 2]
        if j >= 2:
            rp = pl.multiple_of(row0 + (j - 2) * CH, 8)
            pltpu.make_async_copy(buf, out_hbm.at[cid, pl.ds(rp, CH)],
                                  gsems[j % 2]).wait()
        pltpu.sync_copy(shared.at[pl.ds(r, CH)], buf)
        pltpu.async_copy(buf, out_hbm.at[cid, pl.ds(r, CH)], gsems[j % 2])
    for j in range(nj - 2, nj):
        r = pl.multiple_of(row0 + j * CH, 8)
        pltpu.make_async_copy(rows[j % 2], out_hbm.at[cid, pl.ds(r, CH)],
                              gsems[j % 2]).wait()


def _prop_call(srcp4, dstp3t, yrf):
    zfull = jnp.zeros((CH, DH), jnp.bfloat16)
    return pl.kernel(
        _prop_kernel,
        out_type=jax.ShapeDtypeStruct((NC, NP, DH), jnp.bfloat16),
        mesh=_sc_mesh(),
        compiler_params=pltpu.CompilerParams(use_tc_tiling_on_sc=False),
        scratch_types=[
            pltpu.VMEM((PNCH, CH), jnp.int32),
            pltpu.VMEM((PNCH, CH), jnp.int32),
            pltpu.VMEM((CH, DH), jnp.bfloat16),
            pltpu.VMEM((CH, DH), jnp.bfloat16),
            pltpu.VMEM((CH, DH), jnp.bfloat16),
            pltpu.VMEM((CH, DH), jnp.bfloat16),
            pltpu.VMEM((CH, DH), jnp.bfloat16),
            pltpu.VMEM_SHARED((NP, DH), jnp.bfloat16),
            pltpu.SemaphoreType.DMA,
            pltpu.SemaphoreType.DMA,
            pltpu.SemaphoreType.DMA,
            pltpu.SemaphoreType.DMA,
            pltpu.SemaphoreType.DMA,
            pltpu.SemaphoreType.DMA,
            pltpu.SemaphoreType.DMA,
            pltpu.SemaphoreType.DMA,
            pltpu.SemaphoreType.DMA,
            pltpu.SemaphoreType.DMA,
        ],
    )(srcp4, dstp3t, yrf, zfull)


def _prep_body(x_ref, degt_ref, yb2_ref, dinv_ref):
    deg = 1.0 + degt_ref[:, 0:1] + degt_ref[:, 1:2]
    dinv = lax.rsqrt(deg)
    dinv_ref[...] = dinv
    yb = (x_ref[...] * dinv).astype(jnp.bfloat16)
    yb2_ref[0] = yb[:, :DH]
    yb2_ref[1] = yb[:, DH:]


def _prep_call(x, degt):
    return pl.pallas_call(
        _prep_body,
        grid=(NB,),
        in_specs=[
            pl.BlockSpec((BLK, D), lambda i: (i, 0)),
            pl.BlockSpec((BLK, 2), lambda i: (i, 0)),
        ],
        out_specs=[
            pl.BlockSpec((NC, BLK, DH), lambda i: (0, i, 0)),
            pl.BlockSpec((BLK, 1), lambda i: (i, 0)),
        ],
        out_shape=[
            jax.ShapeDtypeStruct((NC, NP, DH), jnp.bfloat16),
            jax.ShapeDtypeStruct((N, 1), jnp.float32),
        ],
    )(x, degt)


def _finish_body(zp_ref, dinv_ref, x_ref, wexp_ref, bexp_ref,
                 w1_ref, b1_ref, w2_ref, b2_ref, out_ref,
                 zsc, g_sc, c_sc, wmp_sc, beta_sc):
    p = pl.program_id(0)
    i = pl.program_id(1)

    @pl.when(p == 0)
    def _phase0():
        by = jnp.concatenate([zp_ref[0], zp_ref[1]],
                             axis=1).astype(jnp.float32)
        dinv = dinv_ref[...]
        z = dinv * by + (dinv * dinv) * x_ref[...]
        zsc[pl.ds(i * BLK, BLK), :] = z
        gpart = lax.dot_general(z, z, (((0,), (0,)), ((), ())),
                                preferred_element_type=jnp.float32)
        cpart = jnp.sum(z, axis=0, keepdims=True)

        @pl.when(i == 0)
        def _init():
            g_sc[...] = gpart
            c_sc[...] = cpart

        @pl.when(i > 0)
        def _acc():
            g_sc[...] += gpart
            c_sc[...] += cpart

    @pl.when((p == 1) & (i == 0))
    def _scalars():
        wall = wexp_ref[...]
        ball = bexp_ref[...]
        s = jnp.zeros((D, D), jnp.float32)
        t = jnp.zeros((1, D), jnp.float32)
        for e in range(NE):
            we = wall[e]
            s = s + lax.dot_general(we, we, (((1,), (1,)), ((), ())),
                                    preferred_element_type=jnp.float32)
            t = t + lax.dot_general(ball[0, e:e + 1], we,
                                    (((1,), (1,)), ((), ())),
                                    preferred_element_type=jnp.float32)
        c1 = c_sc[...]
        wrs = jnp.sum(jnp.sum(wall, axis=0), axis=1)[None]
        bsum = jnp.sum(ball)
        bsq = jnp.sum(ball * ball)
        M = float(NE * N * D)
        sum_all = BN * (jnp.sum(c1 * wrs) + N * bsum)
        sumsq_all = BN * BN * (jnp.sum(g_sc[...] * s)
                               + 2.0 * jnp.sum(c1 * t) + N * bsq)
        gm = sum_all / M
        gs = jnp.sqrt(jnp.maximum(sumsq_all - M * gm * gm, 0.0) / (M - 1.0))
        inv = 1.0 / (gs + 1e-8)
        wm = jnp.sum(wall, axis=0) * (1.0 / NE)
        bm = jnp.sum(ball[0], axis=0, keepdims=True) * (1.0 / NE)
        wmp_sc[...] = (BN * inv) * wm
        beta_sc[...] = (BN * bm - gm) * inv

    @pl.when(p == 1)
    def _phase1():
        z = zsc[pl.ds(i * BLK, BLK), :]
        mm = lax.dot_general(z, wmp_sc[...], (((1,), (0,)), ((), ())),
                             preferred_element_type=jnp.float32)
        h = (x_ref[...] + mm + beta_sc[...]) * BN
        a1 = lax.dot_general(h, w1_ref[...], (((1,), (0,)), ((), ())),
                             preferred_element_type=jnp.float32)
        a1 = jnp.maximum(a1 + b1_ref[...], 0.0)
        ff = lax.dot_general(a1, w2_ref[...], (((1,), (0,)), ((), ())),
                             preferred_element_type=jnp.float32) + b2_ref[...]
        out_ref[...] = (h + ff) * BN


def _finish_call(zp, dinv, x, W_exp, b_exp, W1, b1, W2, b2):
    b_exp3 = b_exp[None]
    return pl.pallas_call(
        _finish_body,
        grid=(2, NB),
        in_specs=[
            pl.BlockSpec((NC, BLK, DH), lambda p, i: (0, i, 0)),
            pl.BlockSpec((BLK, 1), lambda p, i: (i, 0)),
            pl.BlockSpec((BLK, D), lambda p, i: (i, 0)),
            pl.BlockSpec((NE, D, D), lambda p, i: (0, 0, 0)),
            pl.BlockSpec((1, NE, D), lambda p, i: (0, 0, 0)),
            pl.BlockSpec((D, 2 * D), lambda p, i: (0, 0)),
            pl.BlockSpec((1, 2 * D), lambda p, i: (0, 0)),
            pl.BlockSpec((2 * D, D), lambda p, i: (0, 0)),
            pl.BlockSpec((1, D), lambda p, i: (0, 0)),
        ],
        out_specs=pl.BlockSpec((BLK, D), lambda p, i: (i, 0)),
        out_shape=jax.ShapeDtypeStruct((N, D), jnp.float32),
        scratch_shapes=[
            pltpu.VMEM((N, D), jnp.float32),
            pltpu.VMEM((D, D), jnp.float32),
            pltpu.VMEM((1, D), jnp.float32),
            pltpu.VMEM((D, D), jnp.float32),
            pltpu.VMEM((1, D), jnp.float32),
        ],
    )(zp, dinv, x, W_exp, b_exp3, W1, b1[None], W2, b2[None])


def kernel(x, edge_index, W_exp, b_exp, W1, b1, W2, b2):
    src = edge_index[0]
    dst = edge_index[1]
    pad = EP - E
    srcp = jnp.concatenate([src, jnp.zeros((pad,), jnp.int32)])
    dstp = jnp.concatenate(
        [dst, N + (jnp.arange(pad, dtype=jnp.int32) % (NP - N))])

    dstp3 = dstp.reshape(NW, DNCH, CH)
    srcp_t = srcp.reshape(NS, PNCH, CH)
    srcp4 = jnp.stack([srcp_t, srcp_t + NP])
    dstp3t = dstp.reshape(NS, PNCH, CH)

    degp = _deg_call(dstp3)
    degt = jnp.stack([degp[0, :N], degp[1, :N]], axis=1)
    yb2, dinv = _prep_call(x, degt)

    yrf = yb2.reshape(NC * NP, DH)
    zp = _prop_call(srcp4, dstp3t, yrf)
    return _finish_call(zp, dinv, x, W_exp, b_exp, W1, b1, W2, b2)

# --- scband reference (transcript-rebuilt; emitter-appended) ---
"""Pipeline reference for scband-unicondrandlayer-68453188764130 (READ-ONLY COPY).

The authoritative reference and input builder live on the scoring server;
editing this copy changes nothing except your own understanding.
"""

import jax, jax.numpy as jnp
import numpy as np

N_NODES = 10000
N_EDGES = 160000
DIM = 128
N_EXPERTS = 8
# BatchNorm1d in eval mode with freshly-initialized running stats (mean=0, var=1),
# gamma=1, beta=0 reduces to x / sqrt(1 + eps)
BN_SCALE = float(1.0 / np.sqrt(1.0 + 1e-5))


def setup_inputs(seed: int = 0):
    key = jax.random.key(seed)
    ks = jax.random.split(key, 10)
    x = jax.random.normal(ks[0], (N_NODES, DIM), dtype=jnp.float32)
    edge_index = jax.random.randint(ks[1], (2, N_EDGES), 0, N_NODES, dtype=jnp.int32)
    s = 1.0 / np.sqrt(DIM)
    W_exp = jax.random.uniform(ks[2], (N_EXPERTS, DIM, DIM), jnp.float32, -s, s)
    b_exp = jax.random.uniform(ks[3], (N_EXPERTS, DIM), jnp.float32, -s, s)
    W1 = jax.random.uniform(ks[4], (DIM, 2 * DIM), jnp.float32, -s, s)
    b1 = jax.random.uniform(ks[5], (2 * DIM,), jnp.float32, -s, s)
    s2 = 1.0 / np.sqrt(2 * DIM)
    W2 = jax.random.uniform(ks[6], (2 * DIM, DIM), jnp.float32, -s2, s2)
    b2 = jax.random.uniform(ks[7], (DIM,), jnp.float32, -s2, s2)
    return {"x": x, "edge_index": edge_index, "W_exp": W_exp, "b_exp": b_exp,
            "W1": W1, "b1": b1, "W2": W2, "b2": b2}


def _gcn_conv(x, src, dst, W, b, n):
    # pyg GCNConv: self-loops already appended to src/dst by caller.
    xw = x @ W
    deg = jnp.zeros((n,), x.dtype).at[dst].add(1.0)
    dinv = 1.0 / jnp.sqrt(jnp.clip(deg, 1.0))
    norm = dinv[src] * dinv[dst]
    msg = jnp.take(xw, src, axis=0) * norm[:, None]
    out = jnp.zeros_like(xw).at[dst].add(msg)
    return out + b


def reference(x, edge_index, W_exp, b_exp, W1, b1, W2, b2):
    n = x.shape[0]
    loop = jnp.arange(n, dtype=edge_index.dtype)
    src = jnp.concatenate([edge_index[0], loop])
    dst = jnp.concatenate([edge_index[1], loop])
    h_in1 = x
    # --- per-expert KV GNN models (GCN), dropout=0 (identity), BN eval ---
    experts = []
    for i in range(N_EXPERTS):
        h_kv = _gcn_conv(h_in1, src, dst, W_exp[i], b_exp[i], n)
        h_kv = h_kv * BN_SCALE  # norm1_kv (BatchNorm1d, eval)
        experts.append(h_kv)
    # --- global standardization across concatenated expert outputs ---
    all_out = jnp.concatenate(experts, axis=0)
    gm = jnp.mean(all_out)
    gs = jnp.std(all_out, ddof=1)  # torch .std() is unbiased
    experts = [(e - gm) / (gs + 1e-8) for e in experts]
    # expert_dropout is identity in eval; uniform (random-routing expectation) combine
    h_local = sum(experts) / float(N_EXPERTS)
    # residual + norm1_local
    h = (h_in1 + h_local) * BN_SCALE
    # global_model_type == 'None' -> attention block skipped
    # --- feed-forward block + residual + norm2 ---
    ff = jax.nn.relu(h @ W1 + b1) @ W2 + b2
    h = (h + ff) * BN_SCALE
    return h

if __name__ == "__main__":
    import jax
    _d = setup_inputs()
    print(jax.jit(kernel)(*tuple(_d.values())))

</pallas_src>

<mosaic_0001>
#map = affine_map<(d0, d1) -> (0, 0, 0, 0)>
#map1 = affine_map<(d0, d1) -> (0, 0, 0)>
#map2 = affine_map<(d0, d1) -> (0, 0)>
module attributes {stable_mosaic.version = 14 : i64} {
  func.func @_prop_kernel(%arg0: i32, %arg1: i32, %arg2: memref<2x16x80x128xi32, #tpu.memory_space<hbm>>, %arg3: memref<16x80x128xi32, #tpu.memory_space<hbm>>, %arg4: memref<20480x64xbf16, #tpu.memory_space<hbm>>, %arg5: memref<128x64xbf16, #tpu.memory_space<hbm>>, %arg6: memref<2x10240x64xbf16, #tpu.memory_space<hbm>>, %arg7: memref<80x128xi32, #tpu.memory_space<vmem>>, %arg8: memref<80x128xi32, #tpu.memory_space<vmem>>, %arg9: memref<128x64xbf16, #tpu.memory_space<vmem>>, %arg10: memref<128x64xbf16, #tpu.memory_space<vmem>>, %arg11: memref<128x64xbf16, #tpu.memory_space<vmem>>, %arg12: memref<128x64xbf16, #tpu.memory_space<vmem>>, %arg13: memref<128x64xbf16, #tpu.memory_space<vmem>>, %arg14: memref<10240x64xbf16, #tpu.memory_space<vmem_shared>>, %arg15: memref<!tpu.dma_semaphore, #tpu.memory_space<semaphore_mem>>, %arg16: memref<!tpu.dma_semaphore, #tpu.memory_space<semaphore_mem>>, %arg17: memref<!tpu.dma_semaphore, #tpu.memory_space<semaphore_mem>>, %arg18: memref<!tpu.dma_semaphore, #tpu.memory_space<semaphore_mem>>, %arg19: memref<!tpu.dma_semaphore, #tpu.memory_space<semaphore_mem>>, %arg20: memref<!tpu.dma_semaphore, #tpu.memory_space<semaphore_mem>>, %arg21: memref<!tpu.dma_semaphore, #tpu.memory_space<semaphore_mem>>, %arg22: memref<!tpu.dma_semaphore, #tpu.memory_space<semaphore_mem>>, %arg23: memref<!tpu.dma_semaphore, #tpu.memory_space<semaphore_mem>>, %arg24: memref<!tpu.dma_semaphore, #tpu.memory_space<semaphore_mem>>) attributes {dimension_semantics = [#tpu.dimension_semantics<core_parallel>, #tpu.dimension_semantics<subcore_parallel>], iteration_bounds = array<i64: 2, 16>, scalar_prefetch = 0 : i64, scratch_operands = 18 : i64, tpu.core_type = #tpu.core_type<sc_vector_subcore>, window_params = [{transform_indices = #map}, {transform_indices = #map1}, {transform_indices = #map2}, {transform_indices = #map2}, {transform_indices = #map1}]} {
    %mul3A = arith.constant 640 : i32
    %mul3A_0 = arith.muli %arg1, %mul3A : i32
    %multiple_of3A = tpu.assume_multiple %mul3A_0, 8 : i32
    "tpu.region"() ({
      %run_scoped3A = tpu.sem_alloc : memref<!tpu.dma_semaphore, #tpu.memory_space<semaphore_mem>>
      tpu.enqueue_dma source(%arg5 : memref<128x64xbf16, #tpu.memory_space<hbm>>) target(%arg9 : memref<128x64xbf16, #tpu.memory_space<vmem>>) target_semaphore(%run_scoped3A : memref<!tpu.dma_semaphore, #tpu.memory_space<semaphore_mem>>)
      tpu.wait_dma2 semaphore(%run_scoped3A : memref<!tpu.dma_semaphore, #tpu.memory_space<semaphore_mem>>) src(%arg5 : memref<128x64xbf16, #tpu.memory_space<hbm>>) dst(%arg9 : memref<128x64xbf16, #tpu.memory_space<vmem>>)
      tpu.yield
    }) : () -> ()
    %add3A = arith.constant 0 : i32
    %add3A_1 = arith.addi %multiple_of3A, %add3A : i32
    %multiple_of3A_2 = tpu.assume_multiple %add3A_1, 8 : i32
    "tpu.region"() ({
      %run_scoped3A = tpu.sem_alloc : memref<!tpu.dma_semaphore, #tpu.memory_space<semaphore_mem>>
      %dma_start3A_144 = arith.constant 0 : i32
      %dma_start3A_145 = tpu.memref_slice %arg14[%multiple_of3A_2, %dma_start3A_144] : memref<10240x64xbf16, #tpu.memory_space<vmem_shared>> -> memref<128x64xbf16, #tpu.memory_space<vmem_shared>>
      %dma_start3A_146 = arith.constant 0 : i32
      %dma_start3A_147 = tpu.memref_slice %arg14[%multiple_of3A_2, %dma_start3A_146] : memref<10240x64xbf16, #tpu.memory_space<vmem_shared>> -> memref<128x64xbf16, #tpu.memory_space<vmem_shared>>
      tpu.enqueue_dma source(%arg9 : memref<128x64xbf16, #tpu.memory_space<vmem>>) target(%dma_start3A_147 : memref<128x64xbf16, #tpu.memory_space<vmem_shared>>) target_semaphore(%run_scoped3A : memref<!tpu.dma_semaphore, #tpu.memory_space<semaphore_mem>>)
      %dma_wait3A_148 = arith.constant 0 : i32
      %dma_wait3A_149 = tpu.memref_slice %arg14[%multiple_of3A_2, %dma_wait3A_148] : memref<10240x64xbf16, #tpu.memory_space<vmem_shared>> -> memref<128x64xbf16, #tpu.memory_space<vmem_shared>>
      %dma_wait3A_150 = arith.constant 0 : i32
      %dma_wait3A_151 = tpu.memref_slice %arg14[%multiple_of3A_2, %dma_wait3A_150] : memref<10240x64xbf16, #tpu.memory_space<vmem_shared>> -> memref<128x64xbf16, #tpu.memory_space<vmem_shared>>
      tpu.wait_dma2 semaphore(%run_scoped3A : memref<!tpu.dma_semaphore, #tpu.memory_space<semaphore_mem>>) src(%arg9 : memref<128x64xbf16, #tpu.memory_space<vmem>>) dst(%dma_wait3A_151 : memref<128x64xbf16, #tpu.memory_space<vmem_shared>>)
      tpu.yield
    }) : () -> ()
    %add3A_3 = arith.constant 128 : i32
    %add3A_4 = arith.addi %multiple_of3A, %add3A_3 : i32
    %multiple_of3A_5 = tpu.assume_multiple %add3A_4, 8 : i32
    "tpu.region"() ({
      %run_scoped3A = tpu.sem_alloc : memref<!tpu.dma_semaphore, #tpu.memory_space<semaphore_mem>>
      %dma_start3A_144 = arith.constant 0 : i32
      %dma_start3A_145 = tpu.memref_slice %arg14[%multiple_of3A_5, %dma_start3A_144] : memref<10240x64xbf16, #tpu.memory_space<vmem_shared>> -> memref<128x64xbf16, #tpu.memory_space<vmem_shared>>
      %dma_start3A_146 = arith.constant 0 : i32
      %dma_start3A_147 = tpu.memref_slice %arg14[%multiple_of3A_5, %dma_start3A_146] : memref<10240x64xbf16, #tpu.memory_space<vmem_shared>> -> memref<128x64xbf16, #tpu.memory_space<vmem_shared>>
      tpu.enqueue_dma source(%arg9 : memref<128x64xbf16, #tpu.memory_space<vmem>>) target(%dma_start3A_147 : memref<128x64xbf16, #tpu.memory_space<vmem_shared>>) target_semaphore(%run_scoped3A : memref<!tpu.dma_semaphore, #tpu.memory_space<semaphore_mem>>)
      %dma_wait3A_148 = arith.constant 0 : i32
      %dma_wait3A_149 = tpu.memref_slice %arg14[%multiple_of3A_5, %dma_wait3A_148] : memref<10240x64xbf16, #tpu.memory_space<vmem_shared>> -> memref<128x64xbf16, #tpu.memory_space<vmem_shared>>
      %dma_wait3A_150 = arith.constant 0 : i32
      %dma_wait3A_151 = tpu.memref_slice %arg14[%multiple_of3A_5, %dma_wait3A_150] : memref<10240x64xbf16, #tpu.memory_space<vmem_shared>> -> memref<128x64xbf16, #tpu.memory_space<vmem_shared>>
      tpu.wait_dma2 semaphore(%run_scoped3A : memref<!tpu.dma_semaphore, #tpu.memory_space<semaphore_mem>>) src(%arg9 : memref<128x64xbf16, #tpu.memory_space<vmem>>) dst(%dma_wait3A_151 : memref<128x64xbf16, #tpu.memory_space<vmem_shared>>)
      tpu.yield
    }) : () -> ()
    %add3A_6 = arith.constant 256 : i32
    %add3A_7 = arith.addi %multiple_of3A, %add3A_6 : i32
    %multiple_of3A_8 = tpu.assume_multiple %add3A_7, 8 : i32
    "tpu.region"() ({
      %run_scoped3A = tpu.sem_alloc : memref<!tpu.dma_semaphore, #tpu.memory_space<semaphore_mem>>
      %dma_start3A_144 = arith.constant 0 : i32
      %dma_start3A_145 = tpu.memref_slice %arg14[%multiple_of3A_8, %dma_start3A_144] : memref<10240x64xbf16, #tpu.memory_space<vmem_shared>> -> memref<128x64xbf16, #tpu.memory_space<vmem_shared>>
      %dma_start3A_146 = arith.constant 0 : i32
      %dma_start3A_147 = tpu.memref_slice %arg14[%multiple_of3A_8, %dma_start3A_146] : memref<10240x64xbf16, #tpu.memory_space<vmem_shared>> -> memref<128x64xbf16, #tpu.memory_space<vmem_shared>>
      tpu.enqueue_dma source(%arg9 : memref<128x64xbf16, #tpu.memory_space<vmem>>) target(%dma_start3A_147 : memref<128x64xbf16, #tpu.memory_space<vmem_shared>>) target_semaphore(%run_scoped3A : memref<!tpu.dma_semaphore, #tpu.memory_space<semaphore_mem>>)
      %dma_wait3A_148 = arith.constant 0 : i32
      %dma_wait3A_149 = tpu.memref_slice %arg14[%multiple_of3A_8, %dma_wait3A_148] : memref<10240x64xbf16, #tpu.memory_space<vmem_shared>> -> memref<128x64xbf16, #tpu.memory_space<vmem_shared>>
      %dma_wait3A_150 = arith.constant 0 : i32
      %dma_wait3A_151 = tpu.memref_slice %arg14[%multiple_of3A_8, %dma_wait3A_150] : memref<10240x64xbf16, #tpu.memory_space<vmem_shared>> -> memref<128x64xbf16, #tpu.memory_space<vmem_shared>>
      tpu.wait_dma2 semaphore(%run_scoped3A : memref<!tpu.dma_semaphore, #tpu.memory_space<semaphore_mem>>) src(%arg9 : memref<128x64xbf16, #tpu.memory_space<vmem>>) dst(%dma_wait3A_151 : memref<128x64xbf16, #tpu.memory_space<vmem_shared>>)
      tpu.yield
    }) : () -> ()
    %add3A_9 = arith.constant 384 : i32
    %add3A_10 = arith.addi %multiple_of3A, %add3A_9 : i32
    %multiple_of3A_11 = tpu.assume_multiple %add3A_10, 8 : i32
    "tpu.region"() ({
      %run_scoped3A = tpu.sem_alloc : memref<!tpu.dma_semaphore, #tpu.memory_space<semaphore_mem>>
      %dma_start3A_144 = arith.constant 0 : i32
      %dma_start3A_145 = tpu.memref_slice %arg14[%multiple_of3A_11, %dma_start3A_144] : memref<10240x64xbf16, #tpu.memory_space<vmem_shared>> -> memref<128x64xbf16, #tpu.memory_space<vmem_shared>>
      %dma_start3A_146 = arith.constant 0 : i32
      %dma_start3A_147 = tpu.memref_slice %arg14[%multiple_of3A_11, %dma_start3A_146] : memref<10240x64xbf16, #tpu.memory_space<vmem_shared>> -> memref<128x64xbf16, #tpu.memory_space<vmem_shared>>
      tpu.enqueue_dma source(%arg9 : memref<128x64xbf16, #tpu.memory_space<vmem>>) target(%dma_start3A_147 : memref<128x64xbf16, #tpu.memory_space<vmem_shared>>) target_semaphore(%run_scoped3A : memref<!tpu.dma_semaphore, #tpu.memory_space<semaphore_mem>>)
      %dma_wait3A_148 = arith.constant 0 : i32
      %dma_wait3A_149 = tpu.memref_slice %arg14[%multiple_of3A_11, %dma_wait3A_148] : memref<10240x64xbf16, #tpu.memory_space<vmem_shared>> -> memref<128x64xbf16, #tpu.memory_space<vmem_shared>>
      %dma_wait3A_150 = arith.constant 0 : i32
      %dma_wait3A_151 = tpu.memref_slice %arg14[%multiple_of3A_11, %dma_wait3A_150] : memref<10240x64xbf16, #tpu.memory_space<vmem_shared>> -> memref<128x64xbf16, #tpu.memory_space<vmem_shared>>
      tpu.wait_dma2 semaphore(%run_scoped3A : memref<!tpu.dma_semaphore, #tpu.memory_space<semaphore_mem>>) src(%arg9 : memref<128x64xbf16, #tpu.memory_space<vmem>>) dst(%dma_wait3A_151 : memref<128x64xbf16, #tpu.memory_space<vmem_shared>>)
      tpu.yield
    }) : () -> ()
    %add3A_12 = arith.constant 512 : i32
    %add3A_13 = arith.addi %multiple_of3A, %add3A_12 : i32
    %multiple_of3A_14 = tpu.assume_multiple %add3A_13, 8 : i32
    "tpu.region"() ({
      %run_scoped3A = tpu.sem_alloc : memref<!tpu.dma_semaphore, #tpu.memory_space<semaphore_mem>>
      %dma_start3A_144 = arith.constant 0 : i32
      %dma_start3A_145 = tpu.memref_slice %arg14[%multiple_of3A_14, %dma_start3A_144] : memref<10240x64xbf16, #tpu.memory_space<vmem_shared>> -> memref<128x64xbf16, #tpu.memory_space<vmem_shared>>
      %dma_start3A_146 = arith.constant 0 : i32
      %dma_start3A_147 = tpu.memref_slice %arg14[%multiple_of3A_14, %dma_start3A_146] : memref<10240x64xbf16, #tpu.memory_space<vmem_shared>> -> memref<128x64xbf16, #tpu.memory_space<vmem_shared>>
      tpu.enqueue_dma source(%arg9 : memref<128x64xbf16, #tpu.memory_space<vmem>>) target(%dma_start3A_147 : memref<128x64xbf16, #tpu.memory_space<vmem_shared>>) target_semaphore(%run_scoped3A : memref<!tpu.dma_semaphore, #tpu.memory_space<semaphore_mem>>)
      %dma_wait3A_148 = arith.constant 0 : i32
      %dma_wait3A_149 = tpu.memref_slice %arg14[%multiple_of3A_14, %dma_wait3A_148] : memref<10240x64xbf16, #tpu.memory_space<vmem_shared>> -> memref<128x64xbf16, #tpu.memory_space<vmem_shared>>
      %dma_wait3A_150 = arith.constant 0 : i32
      %dma_wait3A_151 = tpu.memref_slice %arg14[%multiple_of3A_14, %dma_wait3A_150] : memref<10240x64xbf16, #tpu.memory_space<vmem_shared>> -> memref<128x64xbf16, #tpu.memory_space<vmem_shared>>
      tpu.wait_dma2 semaphore(%run_scoped3A : memref<!tpu.dma_semaphore, #tpu.memory_space<semaphore_mem>>) src(%arg9 : memref<128x64xbf16, #tpu.memory_space<vmem>>) dst(%dma_wait3A_151 : memref<128x64xbf16, #tpu.memory_space<vmem_shared>>)
      tpu.yield
    }) : () -> ()
    "tpu.region"() ({
      %run_scoped3A = tpu.sem_alloc : memref<!tpu.dma_semaphore, #tpu.memory_space<semaphore_mem>>
      %dma_start3A_144 = arith.constant 0 : i32
      %dma_start3A_145 = arith.constant 0 : i32
      %dma_start3A_146 = tpu.memref_slice %arg2[%arg0, %arg1, %dma_start3A_144, %dma_start3A_145] : memref<2x16x80x128xi32, #tpu.memory_space<hbm>> -> memref<1x1x80x128xi32, #tpu.memory_space<hbm>>
      %dma_start3A_147 = tpu.memref_squeeze %dma_start3A_146 : memref<1x1x80x128xi32, #tpu.memory_space<hbm>> -> memref<80x128xi32, #tpu.memory_space<hbm>>
      %dma_start3A_148 = arith.constant 0 : i32
      %dma_start3A_149 = arith.constant 0 : i32
      %dma_start3A_150 = tpu.memref_slice %arg2[%arg0, %arg1, %dma_start3A_148, %dma_start3A_149] : memref<2x16x80x128xi32, #tpu.memory_space<hbm>> -> memref<1x1x80x128xi32, #tpu.memory_space<hbm>>
      %dma_start3A_151 = tpu.memref_squeeze %dma_start3A_150 : memref<1x1x80x128xi32, #tpu.memory_space<hbm>> -> memref<80x128xi32, #tpu.memory_space<hbm>>
      tpu.enqueue_dma source(%dma_start3A_151 : memref<80x128xi32, #tpu.memory_space<hbm>>) target(%arg7 : memref<80x128xi32, #tpu.memory_space<vmem>>) target_semaphore(%run_scoped3A : memref<!tpu.dma_semaphore, #tpu.memory_space<semaphore_mem>>)
      %dma_wait3A_152 = arith.constant 0 : i32
      %dma_wait3A_153 = arith.constant 0 : i32
      %dma_wait3A_154 = tpu.memref_slice %arg2[%arg0, %arg1, %dma_wait3A_152, %dma_wait3A_153] : memref<2x16x80x128xi32, #tpu.memory_space<hbm>> -> memref<1x1x80x128xi32, #tpu.memory_space<hbm>>
      %dma_wait3A_155 = tpu.memref_squeeze %dma_wait3A_154 : memref<1x1x80x128xi32, #tpu.memory_space<hbm>> -> memref<80x128xi32, #tpu.memory_space<hbm>>
      %dma_wait3A_156 = arith.constant 0 : i32
      %dma_wait3A_157 = arith.constant 0 : i32
      %dma_wait3A_158 = tpu.memref_slice %arg2[%arg0, %arg1, %dma_wait3A_156, %dma_wait3A_157] : memref<2x16x80x128xi32, #tpu.memory_space<hbm>> -> memref<1x1x80x128xi32, #tpu.memory_space<hbm>>
      %dma_wait3A_159 = tpu.memref_squeeze %dma_wait3A_158 : memref<1x1x80x128xi32, #tpu.memory_space<hbm>> -> memref<80x128xi32, #tpu.memory_space<hbm>>
      tpu.wait_dma2 semaphore(%run_scoped3A : memref<!tpu.dma_semaphore, #tpu.memory_space<semaphore_mem>>) src(%dma_wait3A_159 : memref<80x128xi32, #tpu.memory_space<hbm>>) dst(%arg7 : memref<80x128xi32, #tpu.memory_space<vmem>>)
      tpu.yield
    }) : () -> ()
    "tpu.region"() ({
      %run_scoped3A = tpu.sem_alloc : memref<!tpu.dma_semaphore, #tpu.memory_space<semaphore_mem>>
      %dma_start3A_144 = arith.constant 0 : i32
      %dma_start3A_145 = arith.constant 0 : i32
      %dma_start3A_146 = tpu.memref_slice %arg3[%arg1, %dma_start3A_144, %dma_start3A_145] : memref<16x80x128xi32, #tpu.memory_space<hbm>> -> memref<1x80x128xi32, #tpu.memory_space<hbm>>
      %dma_start3A_147 = tpu.memref_squeeze %dma_start3A_146 : memref<1x80x128xi32, #tpu.memory_space<hbm>> -> memref<80x128xi32, #tpu.memory_space<hbm>>
      %dma_start3A_148 = arith.constant 0 : i32
      %dma_start3A_149 = arith.constant 0 : i32
      %dma_start3A_150 = tpu.memref_slice %arg3[%arg1, %dma_start3A_148, %dma_start3A_149] : memref<16x80x128xi32, #tpu.memory_space<hbm>> -> memref<1x80x128xi32, #tpu.memory_space<hbm>>
      %dma_start3A_151 = tpu.memref_squeeze %dma_start3A_150 : memref<1x80x128xi32, #tpu.memory_space<hbm>> -> memref<80x128xi32, #tpu.memory_space<hbm>>
      tpu.enqueue_dma source(%dma_start3A_151 : memref<80x128xi32, #tpu.memory_space<hbm>>) target(%arg8 : memref<80x128xi32, #tpu.memory_space<vmem>>) target_semaphore(%run_scoped3A : memref<!tpu.dma_semaphore, #tpu.memory_space<semaphore_mem>>)
      %dma_wait3A_152 = arith.constant 0 : i32
      %dma_wait3A_153 = arith.constant 0 : i32
      %dma_wait3A_154 = tpu.memref_slice %arg3[%arg1, %dma_wait3A_152, %dma_wait3A_153] : memref<16x80x128xi32, #tpu.memory_space<hbm>> -> memref<1x80x128xi32, #tpu.memory_space<hbm>>
      %dma_wait3A_155 = tpu.memref_squeeze %dma_wait3A_154 : memref<1x80x128xi32, #tpu.memory_space<hbm>> -> memref<80x128xi32, #tpu.memory_space<hbm>>
      %dma_wait3A_156 = arith.constant 0 : i32
      %dma_wait3A_157 = arith.constant 0 : i32
      %dma_wait3A_158 = tpu.memref_slice %arg3[%arg1, %dma_wait3A_156, %dma_wait3A_157] : memref<16x80x128xi32, #tpu.memory_space<hbm>> -> memref<1x80x128xi32, #tpu.memory_space<hbm>>
      %dma_wait3A_159 = tpu.memref_squeeze %dma_wait3A_158 : memref<1x80x128xi32, #tpu.memory_space<hbm>> -> memref<80x128xi32, #tpu.memory_space<hbm>>
      tpu.wait_dma2 semaphore(%run_scoped3A : memref<!tpu.dma_semaphore, #tpu.memory_space<semaphore_mem>>) src(%dma_wait3A_159 : memref<80x128xi32, #tpu.memory_space<hbm>>) dst(%arg8 : memref<80x128xi32, #tpu.memory_space<vmem>>)
      tpu.yield
    }) : () -> ()
    %barrier3A = arith.constant 0 : index
    tpu.barrier barrier_id(%barrier3A)
    %dma_start3A = arith.constant 0 : i32
    %dma_start3A_15 = arith.constant 0 : i32
    %dma_start3A_16 = tpu.memref_slice %arg7[%dma_start3A, %dma_start3A_15] : memref<80x128xi32, #tpu.memory_space<vmem>> -> memref<1x128xi32, #tpu.memory_space<vmem>>
    %dma_start3A_17 = tpu.memref_squeeze %dma_start3A_16 : memref<1x128xi32, #tpu.memory_space<vmem>> -> memref<128xi32, #tpu.memory_space<vmem>>
    %dma_start3A_18 = arith.constant 0 : i32
    %dma_start3A_19 = arith.constant 0 : i32
    %dma_start3A_20 = tpu.memref_slice %arg4[%dma_start3A_18, %dma_start3A_19] : memref<20480x64xbf16, #tpu.memory_space<hbm>> -> memref<20480x64xbf16, #tpu.memory_space<hbm>>
    tpu.enqueue_indirect_dma source(%dma_start3A_20 : memref<20480x64xbf16, #tpu.memory_space<hbm>>) target(%arg9 : memref<128x64xbf16, #tpu.memory_space<vmem>>) offsets(%dma_start3A_17 : memref<128xi32, #tpu.memory_space<vmem>>) semaphore(%arg15 : memref<!tpu.dma_semaphore, #tpu.memory_space<semaphore_mem>>)
    %dma_start3A_21 = arith.constant 1 : i32
    %dma_start3A_22 = arith.constant 0 : i32
    %dma_start3A_23 = tpu.memref_slice %arg7[%dma_start3A_21, %dma_start3A_22] : memref<80x128xi32, #tpu.memory_space<vmem>> -> memref<1x128xi32, #tpu.memory_space<vmem>>
    %dma_start3A_24 = tpu.memref_squeeze %dma_start3A_23 : memref<1x128xi32, #tpu.memory_space<vmem>> -> memref<128xi32, #tpu.memory_space<vmem>>
    %dma_start3A_25 = arith.constant 0 : i32
    %dma_start3A_26 = arith.constant 0 : i32
    %dma_start3A_27 = tpu.memref_slice %arg4[%dma_start3A_25, %dma_start3A_26] : memref<20480x64xbf16, #tpu.memory_space<hbm>> -> memref<20480x64xbf16, #tpu.memory_space<hbm>>
    tpu.enqueue_indirect_dma source(%dma_start3A_27 : memref<20480x64xbf16, #tpu.memory_space<hbm>>) target(%arg10 : memref<128x64xbf16, #tpu.memory_space<vmem>>) offsets(%dma_start3A_24 : memref<128xi32, #tpu.memory_space<vmem>>) semaphore(%arg16 : memref<!tpu.dma_semaphore, #tpu.memory_space<semaphore_mem>>)
    %dma_start3A_28 = arith.constant 2 : i32
    %dma_start3A_29 = arith.constant 0 : i32
    %dma_start3A_30 = tpu.memref_slice %arg7[%dma_start3A_28, %dma_start3A_29] : memref<80x128xi32, #tpu.memory_space<vmem>> -> memref<1x128xi32, #tpu.memory_space<vmem>>
    %dma_start3A_31 = tpu.memref_squeeze %dma_start3A_30 : memref<1x128xi32, #tpu.memory_space<vmem>> -> memref<128xi32, #tpu.memory_space<vmem>>
    %dma_start3A_32 = arith.constant 0 : i32
    %dma_start3A_33 = arith.constant 0 : i32
    %dma_start3A_34 = tpu.memref_slice %arg4[%dma_start3A_32, %dma_start3A_33] : memref<20480x64xbf16, #tpu.memory_space<hbm>> -> memref<20480x64xbf16, #tpu.memory_space<hbm>>
    tpu.enqueue_indirect_dma source(%dma_start3A_34 : memref<20480x64xbf16, #tpu.memory_space<hbm>>) target(%arg11 : memref<128x64xbf16, #tpu.memory_space<vmem>>) offsets(%dma_start3A_31 : memref<128xi32, #tpu.memory_space<vmem>>) semaphore(%arg17 : memref<!tpu.dma_semaphore, #tpu.memory_space<semaphore_mem>>)
    %scan3A = arith.constant 0 : i32
    %scan3A_35 = arith.constant 0 : i32
    %scan3A_36 = arith.constant 16 : i32
    %scan3A_37 = arith.addi %scan3A_35, %scan3A_36 : i32
    %scan3A_38 = arith.constant 1 : i32
    scf.for %scan3A_144 = %scan3A_35 to %scan3A_37 step %scan3A_38  : i32 {
      %mul3A_145 = arith.constant 5 : i32
      %mul3A_146 = arith.muli %mul3A_145, %scan3A_144 : i32
      %add3A_147 = arith.constant 0 : i32
      %add3A_148 = arith.addi %mul3A_146, %add3A_147 : i32
      %dma_wait3A_149 = arith.constant 0 : i32
      %dma_wait3A_150 = tpu.memref_slice %arg7[%add3A_148, %dma_wait3A_149] : memref<80x128xi32, #tpu.memory_space<vmem>> -> memref<1x128xi32, #tpu.memory_space<vmem>>
      %dma_wait3A_151 = tpu.memref_squeeze %dma_wait3A_150 : memref<1x128xi32, #tpu.memory_space<vmem>> -> memref<128xi32, #tpu.memory_space<vmem>>
      %dma_wait3A_152 = arith.constant 0 : i32
      %dma_wait3A_153 = arith.constant 0 : i32
      %dma_wait3A_154 = tpu.memref_slice %arg4[%dma_wait3A_152, %dma_wait3A_153] : memref<20480x64xbf16, #tpu.memory_space<hbm>> -> memref<20480x64xbf16, #tpu.memory_space<hbm>>
      tpu.wait_indirect_dma semaphore(%arg15 : memref<!tpu.dma_semaphore, #tpu.memory_space<semaphore_mem>>) src(%dma_wait3A_154 : memref<20480x64xbf16, #tpu.memory_space<hbm>>) dst(%arg9 : memref<128x64xbf16, #tpu.memory_space<vmem>>)
      %dma_start3A_155 = arith.constant 0 : i32
      %dma_start3A_156 = tpu.memref_slice %arg8[%add3A_148, %dma_start3A_155] : memref<80x128xi32, #tpu.memory_space<vmem>> -> memref<1x128xi32, #tpu.memory_space<vmem>>
      %dma_start3A_157 = tpu.memref_squeeze %dma_start3A_156 : memref<1x128xi32, #tpu.memory_space<vmem>> -> memref<128xi32, #tpu.memory_space<vmem>>
      %dma_start3A_158 = arith.constant 0 : i32
      %dma_start3A_159 = arith.constant 0 : i32
      %dma_start3A_160 = tpu.memref_slice %arg14[%dma_start3A_158, %dma_start3A_159] : memref<10240x64xbf16, #tpu.memory_space<vmem_shared>> -> memref<10240x64xbf16, #tpu.memory_space<vmem_shared>>
      tpu.enqueue_indirect_dma source(%arg9 : memref<128x64xbf16, #tpu.memory_space<vmem>>) target(%dma_start3A_160 : memref<10240x64xbf16, #tpu.memory_space<vmem_shared>>) offsets(%dma_start3A_157 : memref<128xi32, #tpu.memory_space<vmem>>) semaphore(%arg20 : memref<!tpu.dma_semaphore, #tpu.memory_space<semaphore_mem>>) {add = true}
      %ge3A = arith.constant 2 : i32
      %ge3A_161 = arith.cmpi sge, %add3A_148, %ge3A : i32
      %convert_element_type3A = arith.extui %ge3A_161 : i1 to i32
      %cond3A = arith.constant 0 : i32
      %cond3A_162 = arith.cmpi ne, %convert_element_type3A, %cond3A : i32
      scf.if %cond3A_162 {
        %sub3A = arith.constant 2 : i32
        %sub3A_281 = arith.subi %add3A_148, %sub3A : i32
        %dma_wait3A_282 = arith.constant 0 : i32
        %dma_wait3A_283 = tpu.memref_slice %arg8[%sub3A_281, %dma_wait3A_282] : memref<80x128xi32, #tpu.memory_space<vmem>> -> memref<1x128xi32, #tpu.memory_space<vmem>>
        %dma_wait3A_284 = tpu.memref_squeeze %dma_wait3A_283 : memref<1x128xi32, #tpu.memory_space<vmem>> -> memref<128xi32, #tpu.memory_space<vmem>>
        %dma_wait3A_285 = arith.constant 0 : i32
        %dma_wait3A_286 = arith.constant 0 : i32
        %dma_wait3A_287 = tpu.memref_slice %arg14[%dma_wait3A_285, %dma_wait3A_286] : memref<10240x64xbf16, #tpu.memory_space<vmem_shared>> -> memref<10240x64xbf16, #tpu.memory_space<vmem_shared>>
        tpu.wait_indirect_dma semaphore(%arg23 : memref<!tpu.dma_semaphore, #tpu.memory_space<semaphore_mem>>) src(%arg12 : memref<128x64xbf16, #tpu.memory_space<vmem>>) dst(%dma_wait3A_287 : memref<10240x64xbf16, #tpu.memory_space<vmem_shared>>)
      } else {
      }
      %add3A_163 = arith.constant 3 : i32
      %add3A_164 = arith.addi %add3A_148, %add3A_163 : i32
      %lt3A = arith.constant 80 : i32
      %lt3A_165 = arith.cmpi slt, %add3A_164, %lt3A : i32
      %convert_element_type3A_166 = arith.extui %lt3A_165 : i1 to i32
      %cond3A_167 = arith.constant 0 : i32
      %cond3A_168 = arith.cmpi ne, %convert_element_type3A_166, %cond3A_167 : i32
      scf.if %cond3A_168 {
        %add3A_281 = arith.constant 3 : i32
        %add3A_282 = arith.addi %add3A_148, %add3A_281 : i32
        %dma_start3A_283 = arith.constant 0 : i32
        %dma_start3A_284 = tpu.memref_slice %arg7[%add3A_282, %dma_start3A_283] : memref<80x128xi32, #tpu.memory_space<vmem>> -> memref<1x128xi32, #tpu.memory_space<vmem>>
        %dma_start3A_285 = tpu.memref_squeeze %dma_start3A_284 : memref<1x128xi32, #tpu.memory_space<vmem>> -> memref<128xi32, #tpu.memory_space<vmem>>
        %dma_start3A_286 = arith.constant 0 : i32
        %dma_start3A_287 = arith.constant 0 : i32
        %dma_start3A_288 = tpu.memref_slice %arg4[%dma_start3A_286, %dma_start3A_287] : memref<20480x64xbf16, #tpu.memory_space<hbm>> -> memref<20480x64xbf16, #tpu.memory_space<hbm>>
        tpu.enqueue_indirect_dma source(%dma_start3A_288 : memref<20480x64xbf16, #tpu.memory_space<hbm>>) target(%arg12 : memref<128x64xbf16, #tpu.memory_space<vmem>>) offsets(%dma_start3A_285 : memref<128xi32, #tpu.memory_space<vmem>>) semaphore(%arg18 : memref<!tpu.dma_semaphore, #tpu.memory_space<semaphore_mem>>)
      } else {
      }
      %mul3A_169 = arith.constant 5 : i32
      %mul3A_170 = arith.muli %mul3A_169, %scan3A_144 : i32
      %add3A_171 = arith.constant 1 : i32
      %add3A_172 = arith.addi %mul3A_170, %add3A_171 : i32
      %dma_wait3A_173 = arith.constant 0 : i32
      %dma_wait3A_174 = tpu.memref_slice %arg7[%add3A_172, %dma_wait3A_173] : memref<80x128xi32, #tpu.memory_space<vmem>> -> memref<1x128xi32, #tpu.memory_space<vmem>>
      %dma_wait3A_175 = tpu.memref_squeeze %dma_wait3A_174 : memref<1x128xi32, #tpu.memory_space<vmem>> -> memref<128xi32, #tpu.memory_space<vmem>>
      %dma_wait3A_176 = arith.constant 0 : i32
      %dma_wait3A_177 = arith.constant 0 : i32
      %dma_wait3A_178 = tpu.memref_slice %arg4[%dma_wait3A_176, %dma_wait3A_177] : memref<20480x64xbf16, #tpu.memory_space<hbm>> -> memref<20480x64xbf16, #tpu.memory_space<hbm>>
      tpu.wait_indirect_dma semaphore(%arg16 : memref<!tpu.dma_semaphore, #tpu.memory_space<semaphore_mem>>) src(%dma_wait3A_178 : memref<20480x64xbf16, #tpu.memory_space<hbm>>) dst(%arg10 : memref<128x64xbf16, #tpu.memory_space<vmem>>)
      %dma_start3A_179 = arith.constant 0 : i32
      %dma_start3A_180 = tpu.memref_slice %arg8[%add3A_172, %dma_start3A_179] : memref<80x128xi32, #tpu.memory_space<vmem>> -> memref<1x128xi32, #tpu.memory_space<vmem>>
      %dma_start3A_181 = tpu.memref_squeeze %dma_start3A_180 : memref<1x128xi32, #tpu.memory_space<vmem>> -> memref<128xi32, #tpu.memory_space<vmem>>
      %dma_start3A_182 = arith.constant 0 : i32
      %dma_start3A_183 = arith.constant 0 : i32
      %dma_start3A_184 = tpu.memref_slice %arg14[%dma_start3A_182, %dma_start3A_183] : memref<10240x64xbf16, #tpu.memory_space<vmem_shared>> -> memref<10240x64xbf16, #tpu.memory_space<vmem_shared>>
      tpu.enqueue_indirect_dma source(%arg10 : memref<128x64xbf16, #tpu.memory_space<vmem>>) target(%dma_start3A_184 : memref<10240x64xbf16, #tpu.memory_space<vmem_shared>>) offsets(%dma_start3A_181 : memref<128xi32, #tpu.memory_space<vmem>>) semaphore(%arg21 : memref<!tpu.dma_semaphore, #tpu.memory_space<semaphore_mem>>) {add = true}
      %ge3A_185 = arith.constant 2 : i32
      %ge3A_186 = arith.cmpi sge, %add3A_172, %ge3A_185 : i32
      %convert_element_type3A_187 = arith.extui %ge3A_186 : i1 to i32
      %cond3A_188 = arith.constant 0 : i32
      %cond3A_189 = arith.cmpi ne, %convert_element_type3A_187, %cond3A_188 : i32
      scf.if %cond3A_189 {
        %sub3A = arith.constant 2 : i32
        %sub3A_281 = arith.subi %add3A_172, %sub3A : i32
        %dma_wait3A_282 = arith.constant 0 : i32
        %dma_wait3A_283 = tpu.memref_slice %arg8[%sub3A_281, %dma_wait3A_282] : memref<80x128xi32, #tpu.memory_space<vmem>> -> memref<1x128xi32, #tpu.memory_space<vmem>>
        %dma_wait3A_284 = tpu.memref_squeeze %dma_wait3A_283 : memref<1x128xi32, #tpu.memory_space<vmem>> -> memref<128xi32, #tpu.memory_space<vmem>>
        %dma_wait3A_285 = arith.constant 0 : i32
        %dma_wait3A_286 = arith.constant 0 : i32
        %dma_wait3A_287 = tpu.memref_slice %arg14[%dma_wait3A_285, %dma_wait3A_286] : memref<10240x64xbf16, #tpu.memory_space<vmem_shared>> -> memref<10240x64xbf16, #tpu.memory_space<vmem_shared>>
        tpu.wait_indirect_dma semaphore(%arg24 : memref<!tpu.dma_semaphore, #tpu.memory_space<semaphore_mem>>) src(%arg13 : memref<128x64xbf16, #tpu.memory_space<vmem>>) dst(%dma_wait3A_287 : memref<10240x64xbf16, #tpu.memory_space<vmem_shared>>)
      } else {
      }
      %add3A_190 = arith.constant 3 : i32
      %add3A_191 = arith.addi %add3A_172, %add3A_190 : i32
      %lt3A_192 = arith.constant 80 : i32
      %lt3A_193 = arith.cmpi slt, %add3A_191, %lt3A_192 : i32
      %convert_element_type3A_194 = arith.extui %lt3A_193 : i1 to i32
      %cond3A_195 = arith.constant 0 : i32
      %cond3A_196 = arith.cmpi ne, %convert_element_type3A_194, %cond3A_195 : i32
      scf.if %cond3A_196 {
        %add3A_281 = arith.constant 3 : i32
        %add3A_282 = arith.addi %add3A_172, %add3A_281 : i32
        %dma_start3A_283 = arith.constant 0 : i32
        %dma_start3A_284 = tpu.memref_slice %arg7[%add3A_282, %dma_start3A_283] : memref<80x128xi32, #tpu.memory_space<vmem>> -> memref<1x128xi32, #tpu.memory_space<vmem>>
        %dma_start3A_285 = tpu.memref_squeeze %dma_start3A_284 : memref<1x128xi32, #tpu.memory_space<vmem>> -> memref<128xi32, #tpu.memory_space<vmem>>
        %dma_start3A_286 = arith.constant 0 : i32
        %dma_start3A_287 = arith.constant 0 : i32
        %dma_start3A_288 = tpu.memref_slice %arg4[%dma_start3A_286, %dma_start3A_287] : memref<20480x64xbf16, #tpu.memory_space<hbm>> -> memref<20480x64xbf16, #tpu.memory_space<hbm>>
        tpu.enqueue_indirect_dma source(%dma_start3A_288 : memref<20480x64xbf16, #tpu.memory_space<hbm>>) target(%arg13 : memref<128x64xbf16, #tpu.memory_space<vmem>>) offsets(%dma_start3A_285 : memref<128xi32, #tpu.memory_space<vmem>>) semaphore(%arg19 : memref<!tpu.dma_semaphore, #tpu.memory_space<semaphore_mem>>)
      } else {
      }
      %mul3A_197 = arith.constant 5 : i32
      %mul3A_198 = arith.muli %mul3A_197, %scan3A_144 : i32
      %add3A_199 = arith.constant 2 : i32
      %add3A_200 = arith.addi %mul3A_198, %add3A_199 : i32
      %dma_wait3A_201 = arith.constant 0 : i32
      %dma_wait3A_202 = tpu.memref_slice %arg7[%add3A_200, %dma_wait3A_201] : memref<80x128xi32, #tpu.memory_space<vmem>> -> memref<1x128xi32, #tpu.memory_space<vmem>>
      %dma_wait3A_203 = tpu.memref_squeeze %dma_wait3A_202 : memref<1x128xi32, #tpu.memory_space<vmem>> -> memref<128xi32, #tpu.memory_space<vmem>>
      %dma_wait3A_204 = arith.constant 0 : i32
      %dma_wait3A_205 = arith.constant 0 : i32
      %dma_wait3A_206 = tpu.memref_slice %arg4[%dma_wait3A_204, %dma_wait3A_205] : memref<20480x64xbf16, #tpu.memory_space<hbm>> -> memref<20480x64xbf16, #tpu.memory_space<hbm>>
      tpu.wait_indirect_dma semaphore(%arg17 : memref<!tpu.dma_semaphore, #tpu.memory_space<semaphore_mem>>) src(%dma_wait3A_206 : memref<20480x64xbf16, #tpu.memory_space<hbm>>) dst(%arg11 : memref<128x64xbf16, #tpu.memory_space<vmem>>)
      %dma_start3A_207 = arith.constant 0 : i32
      %dma_start3A_208 = tpu.memref_slice %arg8[%add3A_200, %dma_start3A_207] : memref<80x128xi32, #tpu.memory_space<vmem>> -> memref<1x128xi32, #tpu.memory_space<vmem>>
      %dma_start3A_209 = tpu.memref_squeeze %dma_start3A_208 : memref<1x128xi32, #tpu.memory_space<vmem>> -> memref<128xi32, #tpu.memory_space<vmem>>
      %dma_start3A_210 = arith.constant 0 : i32
      %dma_start3A_211 = arith.constant 0 : i32
      %dma_start3A_212 = tpu.memref_slice %arg14[%dma_start3A_210, %dma_start3A_211] : memref<10240x64xbf16, #tpu.memory_space<vmem_shared>> -> memref<10240x64xbf16, #tpu.memory_space<vmem_shared>>
      tpu.enqueue_indirect_dma source(%arg11 : memref<128x64xbf16, #tpu.memory_space<vmem>>) target(%dma_start3A_212 : memref<10240x64xbf16, #tpu.memory_space<vmem_shared>>) offsets(%dma_start3A_209 : memref<128xi32, #tpu.memory_space<vmem>>) semaphore(%arg22 : memref<!tpu.dma_semaphore, #tpu.memory_space<semaphore_mem>>) {add = true}
      %ge3A_213 = arith.constant 2 : i32
      %ge3A_214 = arith.cmpi sge, %add3A_200, %ge3A_213 : i32
      %convert_element_type3A_215 = arith.extui %ge3A_214 : i1 to i32
      %cond3A_216 = arith.constant 0 : i32
      %cond3A_217 = arith.cmpi ne, %convert_element_type3A_215, %cond3A_216 : i32
      scf.if %cond3A_217 {
        %sub3A = arith.constant 2 : i32
        %sub3A_281 = arith.subi %add3A_200, %sub3A : i32
        %dma_wait3A_282 = arith.constant 0 : i32
        %dma_wait3A_283 = tpu.memref_slice %arg8[%sub3A_281, %dma_wait3A_282] : memref<80x128xi32, #tpu.memory_space<vmem>> -> memref<1x128xi32, #tpu.memory_space<vmem>>
        %dma_wait3A_284 = tpu.memref_squeeze %dma_wait3A_283 : memref<1x128xi32, #tpu.memory_space<vmem>> -> memref<128xi32, #tpu.memory_space<vmem>>
        %dma_wait3A_285 = arith.constant 0 : i32
        %dma_wait3A_286 = arith.constant 0 : i32
        %dma_wait3A_287 = tpu.memref_slice %arg14[%dma_wait3A_285, %dma_wait3A_286] : memref<10240x64xbf16, #tpu.memory_space<vmem_shared>> -> memref<10240x64xbf16, #tpu.memory_space<vmem_shared>>
        tpu.wait_indirect_dma semaphore(%arg20 : memref<!tpu.dma_semaphore, #tpu.memory_space<semaphore_mem>>) src(%arg9 : memref<128x64xbf16, #tpu.memory_space<vmem>>) dst(%dma_wait3A_287 : memref<10240x64xbf16, #tpu.memory_space<vmem_shared>>)
      } else {
      }
      %add3A_218 = arith.constant 3 : i32
      %add3A_219 = arith.addi %add3A_200, %add3A_218 : i32
      %lt3A_220 = arith.constant 80 : i32
      %lt3A_221 = arith.cmpi slt, %add3A_219, %lt3A_220 : i32
      %convert_element_type3A_222 = arith.extui %lt3A_221 : i1 to i32
      %cond3A_223 = arith.constant 0 : i32
      %cond3A_224 = arith.cmpi ne, %convert_element_type3A_222, %cond3A_223 : i32
      scf.if %cond3A_224 {
        %add3A_281 = arith.constant 3 : i32
        %add3A_282 = arith.addi %add3A_200, %add3A_281 : i32
        %dma_start3A_283 = arith.constant 0 : i32
        %dma_start3A_284 = tpu.memref_slice %arg7[%add3A_282, %dma_start3A_283] : memref<80x128xi32, #tpu.memory_space<vmem>> -> memref<1x128xi32, #tpu.memory_space<vmem>>
        %dma_start3A_285 = tpu.memref_squeeze %dma_start3A_284 : memref<1x128xi32, #tpu.memory_space<vmem>> -> memref<128xi32, #tpu.memory_space<vmem>>
        %dma_start3A_286 = arith.constant 0 : i32
        %dma_start3A_287 = arith.constant 0 : i32
        %dma_start3A_288 = tpu.memref_slice %arg4[%dma_start3A_286, %dma_start3A_287] : memref<20480x64xbf16, #tpu.memory_space<hbm>> -> memref<20480x64xbf16, #tpu.memory_space<hbm>>
        tpu.enqueue_indirect_dma source(%dma_start3A_288 : memref<20480x64xbf16, #tpu.memory_space<hbm>>) target(%arg9 : memref<128x64xbf16, #tpu.memory_space<vmem>>) offsets(%dma_start3A_285 : memref<128xi32, #tpu.memory_space<vmem>>) semaphore(%arg15 : memref<!tpu.dma_semaphore, #tpu.memory_space<semaphore_mem>>)
      } else {
      }
      %mul3A_225 = arith.constant 5 : i32
      %mul3A_226 = arith.muli %mul3A_225, %scan3A_144 : i32
      %add3A_227 = arith.constant 3 : i32
      %add3A_228 = arith.addi %mul3A_226, %add3A_227 : i32
      %dma_wait3A_229 = arith.constant 0 : i32
      %dma_wait3A_230 = tpu.memref_slice %arg7[%add3A_228, %dma_wait3A_229] : memref<80x128xi32, #tpu.memory_space<vmem>> -> memref<1x128xi32, #tpu.memory_space<vmem>>
      %dma_wait3A_231 = tpu.memref_squeeze %dma_wait3A_230 : memref<1x128xi32, #tpu.memory_space<vmem>> -> memref<128xi32, #tpu.memory_space<vmem>>
      %dma_wait3A_232 = arith.constant 0 : i32
      %dma_wait3A_233 = arith.constant 0 : i32
      %dma_wait3A_234 = tpu.memref_slice %arg4[%dma_wait3A_232, %dma_wait3A_233] : memref<20480x64xbf16, #tpu.memory_space<hbm>> -> memref<20480x64xbf16, #tpu.memory_space<hbm>>
      tpu.wait_indirect_dma semaphore(%arg18 : memref<!tpu.dma_semaphore, #tpu.memory_space<semaphore_mem>>) src(%dma_wait3A_234 : memref<20480x64xbf16, #tpu.memory_space<hbm>>) dst(%arg12 : memref<128x64xbf16, #tpu.memory_space<vmem>>)
      %dma_start3A_235 = arith.constant 0 : i32
      %dma_start3A_236 = tpu.memref_slice %arg8[%add3A_228, %dma_start3A_235] : memref<80x128xi32, #tpu.memory_space<vmem>> -> memref<1x128xi32, #tpu.memory_space<vmem>>
      %dma_start3A_237 = tpu.memref_squeeze %dma_start3A_236 : memref<1x128xi32, #tpu.memory_space<vmem>> -> memref<128xi32, #tpu.memory_space<vmem>>
      %dma_start3A_238 = arith.constant 0 : i32
      %dma_start3A_239 = arith.constant 0 : i32
      %dma_start3A_240 = tpu.memref_slice %arg14[%dma_start3A_238, %dma_start3A_239] : memref<10240x64xbf16, #tpu.memory_space<vmem_shared>> -> memref<10240x64xbf16, #tpu.memory_space<vmem_shared>>
      tpu.enqueue_indirect_dma source(%arg12 : memref<128x64xbf16, #tpu.memory_space<vmem>>) target(%dma_start3A_240 : memref<10240x64xbf16, #tpu.memory_space<vmem_shared>>) offsets(%dma_start3A_237 : memref<128xi32, #tpu.memory_space<vmem>>) semaphore(%arg23 : memref<!tpu.dma_semaphore, #tpu.memory_space<semaphore_mem>>) {add = true}
      %ge3A_241 = arith.constant 2 : i32
      %ge3A_242 = arith.cmpi sge, %add3A_228, %ge3A_241 : i32
      %convert_element_type3A_243 = arith.extui %ge3A_242 : i1 to i32
      %cond3A_244 = arith.constant 0 : i32
      %cond3A_245 = arith.cmpi ne, %convert_element_type3A_243, %cond3A_244 : i32
      scf.if %cond3A_245 {
        %sub3A = arith.constant 2 : i32
        %sub3A_281 = arith.subi %add3A_228, %sub3A : i32
        %dma_wait3A_282 = arith.constant 0 : i32
        %dma_wait3A_283 = tpu.memref_slice %arg8[%sub3A_281, %dma_wait3A_282] : memref<80x128xi32, #tpu.memory_space<vmem>> -> memref<1x128xi32, #tpu.memory_space<vmem>>
        %dma_wait3A_284 = tpu.memref_squeeze %dma_wait3A_283 : memref<1x128xi32, #tpu.memory_space<vmem>> -> memref<128xi32, #tpu.memory_space<vmem>>
        %dma_wait3A_285 = arith.constant 0 : i32
        %dma_wait3A_286 = arith.constant 0 : i32
        %dma_wait3A_287 = tpu.memref_slice %arg14[%dma_wait3A_285, %dma_wait3A_286] : memref<10240x64xbf16, #tpu.memory_space<vmem_shared>> -> memref<10240x64xbf16, #tpu.memory_space<vmem_shared>>
        tpu.wait_indirect_dma semaphore(%arg21 : memref<!tpu.dma_semaphore, #tpu.memory_space<semaphore_mem>>) src(%arg10 : memref<128x64xbf16, #tpu.memory_space<vmem>>) dst(%dma_wait3A_287 : memref<10240x64xbf16, #tpu.memory_space<vmem_shared>>)
      } else {
      }
      %add3A_246 = arith.constant 3 : i32
      %add3A_247 = arith.addi %add3A_228, %add3A_246 : i32
      %lt3A_248 = arith.constant 80 : i32
      %lt3A_249 = arith.cmpi slt, %add3A_247, %lt3A_248 : i32
      %convert_element_type3A_250 = arith.extui %lt3A_249 : i1 to i32
      %cond3A_251 = arith.constant 0 : i32
      %cond3A_252 = arith.cmpi ne, %convert_element_type3A_250, %cond3A_251 : i32
      scf.if %cond3A_252 {
        %add3A_281 = arith.constant 3 : i32
        %add3A_282 = arith.addi %add3A_228, %add3A_281 : i32
        %dma_start3A_283 = arith.constant 0 : i32
        %dma_start3A_284 = tpu.memref_slice %arg7[%add3A_282, %dma_start3A_283] : memref<80x128xi32, #tpu.memory_space<vmem>> -> memref<1x128xi32, #tpu.memory_space<vmem>>
        %dma_start3A_285 = tpu.memref_squeeze %dma_start3A_284 : memref<1x128xi32, #tpu.memory_space<vmem>> -> memref<128xi32, #tpu.memory_space<vmem>>
        %dma_start3A_286 = arith.constant 0 : i32
        %dma_start3A_287 = arith.constant 0 : i32
        %dma_start3A_288 = tpu.memref_slice %arg4[%dma_start3A_286, %dma_start3A_287] : memref<20480x64xbf16, #tpu.memory_space<hbm>> -> memref<20480x64xbf16, #tpu.memory_space<hbm>>
        tpu.enqueue_indirect_dma source(%dma_start3A_288 : memref<20480x64xbf16, #tpu.memory_space<hbm>>) target(%arg10 : memref<128x64xbf16, #tpu.memory_space<vmem>>) offsets(%dma_start3A_285 : memref<128xi32, #tpu.memory_space<vmem>>) semaphore(%arg16 : memref<!tpu.dma_semaphore, #tpu.memory_space<semaphore_mem>>)
      } else {
      }
      %mul3A_253 = arith.constant 5 : i32
      %mul3A_254 = arith.muli %mul3A_253, %scan3A_144 : i32
      %add3A_255 = arith.constant 4 : i32
      %add3A_256 = arith.addi %mul3A_254, %add3A_255 : i32
      %dma_wait3A_257 = arith.constant 0 : i32
      %dma_wait3A_258 = tpu.memref_slice %arg7[%add3A_256, %dma_wait3A_257] : memref<80x128xi32, #tpu.memory_space<vmem>> -> memref<1x128xi32, #tpu.memory_space<vmem>>
      %dma_wait3A_259 = tpu.memref_squeeze %dma_wait3A_258 : memref<1x128xi32, #tpu.memory_space<vmem>> -> memref<128xi32, #tpu.memory_space<vmem>>
      %dma_wait3A_260 = arith.constant 0 : i32
      %dma_wait3A_261 = arith.constant 0 : i32
      %dma_wait3A_262 = tpu.memref_slice %arg4[%dma_wait3A_260, %dma_wait3A_261] : memref<20480x64xbf16, #tpu.memory_space<hbm>> -> memref<20480x64xbf16, #tpu.memory_space<hbm>>
      tpu.wait_indirect_dma semaphore(%arg19 : memref<!tpu.dma_semaphore, #tpu.memory_space<semaphore_mem>>) src(%dma_wait3A_262 : memref<20480x64xbf16, #tpu.memory_space<hbm>>) dst(%arg13 : memref<128x64xbf16, #tpu.memory_space<vmem>>)
      %dma_start3A_263 = arith.constant 0 : i32
      %dma_start3A_264 = tpu.memref_slice %arg8[%add3A_256, %dma_start3A_263] : memref<80x128xi32, #tpu.memory_space<vmem>> -> memref<1x128xi32, #tpu.memory_space<vmem>>
      %dma_start3A_265 = tpu.memref_squeeze %dma_start3A_264 : memref<1x128xi32, #tpu.memory_space<vmem>> -> memref<128xi32, #tpu.memory_space<vmem>>
      %dma_start3A_266 = arith.constant 0 : i32
      %dma_start3A_267 = arith.constant 0 : i32
      %dma_start3A_268 = tpu.memref_slice %arg14[%dma_start3A_266, %dma_start3A_267] : memref<10240x64xbf16, #tpu.memory_space<vmem_shared>> -> memref<10240x64xbf16, #tpu.memory_space<vmem_shared>>
      tpu.enqueue_indirect_dma source(%arg13 : memref<128x64xbf16, #tpu.memory_space<vmem>>) target(%dma_start3A_268 : memref<10240x64xbf16, #tpu.memory_space<vmem_shared>>) offsets(%dma_start3A_265 : memref<128xi32, #tpu.memory_space<vmem>>) semaphore(%arg24 : memref<!tpu.dma_semaphore, #tpu.memory_space<semaphore_mem>>) {add = true}
      %ge3A_269 = arith.constant 2 : i32
      %ge3A_270 = arith.cmpi sge, %add3A_256, %ge3A_269 : i32
      %convert_element_type3A_271 = arith.extui %ge3A_270 : i1 to i32
      %cond3A_272 = arith.constant 0 : i32
      %cond3A_273 = arith.cmpi ne, %convert_element_type3A_271, %cond3A_272 : i32
      scf.if %cond3A_273 {
        %sub3A = arith.constant 2 : i32
        %sub3A_281 = arith.subi %add3A_256, %sub3A : i32
        %dma_wait3A_282 = arith.constant 0 : i32
        %dma_wait3A_283 = tpu.memref_slice %arg8[%sub3A_281, %dma_wait3A_282] : memref<80x128xi32, #tpu.memory_space<vmem>> -> memref<1x128xi32, #tpu.memory_space<vmem>>
        %dma_wait3A_284 = tpu.memref_squeeze %dma_wait3A_283 : memref<1x128xi32, #tpu.memory_space<vmem>> -> memref<128xi32, #tpu.memory_space<vmem>>
        %dma_wait3A_285 = arith.constant 0 : i32
        %dma_wait3A_286 = arith.constant 0 : i32
        %dma_wait3A_287 = tpu.memref_slice %arg14[%dma_wait3A_285, %dma_wait3A_286] : memref<10240x64xbf16, #tpu.memory_space<vmem_shared>> -> memref<10240x64xbf16, #tpu.memory_space<vmem_shared>>
        tpu.wait_indirect_dma semaphore(%arg22 : memref<!tpu.dma_semaphore, #tpu.memory_space<semaphore_mem>>) src(%arg11 : memref<128x64xbf16, #tpu.memory_space<vmem>>) dst(%dma_wait3A_287 : memref<10240x64xbf16, #tpu.memory_space<vmem_shared>>)
      } else {
      }
      %add3A_274 = arith.constant 3 : i32
      %add3A_275 = arith.addi %add3A_256, %add3A_274 : i32
      %lt3A_276 = arith.constant 80 : i32
      %lt3A_277 = arith.cmpi slt, %add3A_275, %lt3A_276 : i32
      %convert_element_type3A_278 = arith.extui %lt3A_277 : i1 to i32
      %cond3A_279 = arith.constant 0 : i32
      %cond3A_280 = arith.cmpi ne, %convert_element_type3A_278, %cond3A_279 : i32
      scf.if %cond3A_280 {
        %add3A_281 = arith.constant 3 : i32
        %add3A_282 = arith.addi %add3A_256, %add3A_281 : i32
        %dma_start3A_283 = arith.constant 0 : i32
        %dma_start3A_284 = tpu.memref_slice %arg7[%add3A_282, %dma_start3A_283] : memref<80x128xi32, #tpu.memory_space<vmem>> -> memref<1x128xi32, #tpu.memory_space<vmem>>
        %dma_start3A_285 = tpu.memref_squeeze %dma_start3A_284 : memref<1x128xi32, #tpu.memory_space<vmem>> -> memref<128xi32, #tpu.memory_space<vmem>>
        %dma_start3A_286 = arith.constant 0 : i32
        %dma_start3A_287 = arith.constant 0 : i32
        %dma_start3A_288 = tpu.memref_slice %arg4[%dma_start3A_286, %dma_start3A_287] : memref<20480x64xbf16, #tpu.memory_space<hbm>> -> memref<20480x64xbf16, #tpu.memory_space<hbm>>
        tpu.enqueue_indirect_dma source(%dma_start3A_288 : memref<20480x64xbf16, #tpu.memory_space<hbm>>) target(%arg11 : memref<128x64xbf16, #tpu.memory_space<vmem>>) offsets(%dma_start3A_285 : memref<128xi32, #tpu.memory_space<vmem>>) semaphore(%arg17 : memref<!tpu.dma_semaphore, #tpu.memory_space<semaphore_mem>>)
      } else {
      }
    }
    %scan3A_39 = arith.constant 16 : i32
    %dma_wait3A = arith.constant 78 : i32
    %dma_wait3A_40 = arith.constant 0 : i32
    %dma_wait3A_41 = tpu.memref_slice %arg8[%dma_wait3A, %dma_wait3A_40] : memref<80x128xi32, #tpu.memory_space<vmem>> -> memref<1x128xi32, #tpu.memory_space<vmem>>
    %dma_wait3A_42 = tpu.memref_squeeze %dma_wait3A_41 : memref<1x128xi32, #tpu.memory_space<vmem>> -> memref<128xi32, #tpu.memory_space<vmem>>
    %dma_wait3A_43 = arith.constant 0 : i32
    %dma_wait3A_44 = arith.constant 0 : i32
    %dma_wait3A_45 = tpu.memref_slice %arg14[%dma_wait3A_43, %dma_wait3A_44] : memref<10240x64xbf16, #tpu.memory_space<vmem_shared>> -> memref<10240x64xbf16, #tpu.memory_space<vmem_shared>>
    tpu.wait_indirect_dma semaphore(%arg23 : memref<!tpu.dma_semaphore, #tpu.memory_space<semaphore_mem>>) src(%arg12 : memref<128x64xbf16, #tpu.memory_space<vmem>>) dst(%dma_wait3A_45 : memref<10240x64xbf16, #tpu.memory_space<vmem_shared>>)
    %dma_wait3A_46 = arith.constant 79 : i32
    %dma_wait3A_47 = arith.constant 0 : i32
    %dma_wait3A_48 = tpu.memref_slice %arg8[%dma_wait3A_46, %dma_wait3A_47] : memref<80x128xi32, #tpu.memory_space<vmem>> -> memref<1x128xi32, #tpu.memory_space<vmem>>
    %dma_wait3A_49 = tpu.memref_squeeze %dma_wait3A_48 : memref<1x128xi32, #tpu.memory_space<vmem>> -> memref<128xi32, #tpu.memory_space<vmem>>
    %dma_wait3A_50 = arith.constant 0 : i32
    %dma_wait3A_51 = arith.constant 0 : i32
    %dma_wait3A_52 = tpu.memref_slice %arg14[%dma_wait3A_50, %dma_wait3A_51] : memref<10240x64xbf16, #tpu.memory_space<vmem_shared>> -> memref<10240x64xbf16, #tpu.memory_space<vmem_shared>>
    tpu.wait_indirect_dma semaphore(%arg24 : memref<!tpu.dma_semaphore, #tpu.memory_space<semaphore_mem>>) src(%arg13 : memref<128x64xbf16, #tpu.memory_space<vmem>>) dst(%dma_wait3A_52 : memref<10240x64xbf16, #tpu.memory_space<vmem_shared>>)
    %barrier3A_53 = arith.constant 0 : index
    tpu.barrier barrier_id(%barrier3A_53)
    %add3A_54 = arith.constant 0 : i32
    %add3A_55 = arith.addi %multiple_of3A, %add3A_54 : i32
    %multiple_of3A_56 = tpu.assume_multiple %add3A_55, 8 : i32
    "tpu.region"() ({
      %run_scoped3A = tpu.sem_alloc : memref<!tpu.dma_semaphore, #tpu.memory_space<semaphore_mem>>
      %dma_start3A_144 = arith.constant 0 : i32
      %dma_start3A_145 = tpu.memref_slice %arg14[%multiple_of3A_56, %dma_start3A_144] : memref<10240x64xbf16, #tpu.memory_space<vmem_shared>> -> memref<128x64xbf16, #tpu.memory_space<vmem_shared>>
      %dma_start3A_146 = arith.constant 0 : i32
      %dma_start3A_147 = tpu.memref_slice %arg14[%multiple_of3A_56, %dma_start3A_146] : memref<10240x64xbf16, #tpu.memory_space<vmem_shared>> -> memref<128x64xbf16, #tpu.memory_space<vmem_shared>>
      tpu.enqueue_dma source(%dma_start3A_147 : memref<128x64xbf16, #tpu.memory_space<vmem_shared>>) target(%arg9 : memref<128x64xbf16, #tpu.memory_space<vmem>>) target_semaphore(%run_scoped3A : memref<!tpu.dma_semaphore, #tpu.memory_space<semaphore_mem>>)
      %dma_wait3A_148 = arith.constant 0 : i32
      %dma_wait3A_149 = tpu.memref_slice %arg14[%multiple_of3A_56, %dma_wait3A_148] : memref<10240x64xbf16, #tpu.memory_space<vmem_shared>> -> memref<128x64xbf16, #tpu.memory_space<vmem_shared>>
      %dma_wait3A_150 = arith.constant 0 : i32
      %dma_wait3A_151 = tpu.memref_slice %arg14[%multiple_of3A_56, %dma_wait3A_150] : memref<10240x64xbf16, #tpu.memory_space<vmem_shared>> -> memref<128x64xbf16, #tpu.memory_space<vmem_shared>>
      tpu.wait_dma2 semaphore(%run_scoped3A : memref<!tpu.dma_semaphore, #tpu.memory_space<semaphore_mem>>) src(%dma_wait3A_151 : memref<128x64xbf16, #tpu.memory_space<vmem_shared>>) dst(%arg9 : memref<128x64xbf16, #tpu.memory_space<vmem>>)
      tpu.yield
    }) : () -> ()
    %dma_start3A_57 = arith.constant 0 : i32
    %dma_start3A_58 = tpu.memref_slice %arg6[%arg0, %multiple_of3A_56, %dma_start3A_57] : memref<2x10240x64xbf16, #tpu.memory_space<hbm>> -> memref<1x128x64xbf16, #tpu.memory_space<hbm>>
    %dma_start3A_59 = tpu.memref_squeeze %dma_start3A_58 : memref<1x128x64xbf16, #tpu.memory_space<hbm>> -> memref<128x64xbf16, #tpu.memory_space<hbm>>
    %dma_start3A_60 = arith.constant 0 : i32
    %dma_start3A_61 = tpu.memref_slice %arg6[%arg0, %multiple_of3A_56, %dma_start3A_60] : memref<2x10240x64xbf16, #tpu.memory_space<hbm>> -> memref<1x128x64xbf16, #tpu.memory_space<hbm>>
    %dma_start3A_62 = tpu.memref_squeeze %dma_start3A_61 : memref<1x128x64xbf16, #tpu.memory_space<hbm>> -> memref<128x64xbf16, #tpu.memory_space<hbm>>
    tpu.enqueue_dma source(%arg9 : memref<128x64xbf16, #tpu.memory_space<vmem>>) target(%dma_start3A_62 : memref<128x64xbf16, #tpu.memory_space<hbm>>) target_semaphore(%arg15 : memref<!tpu.dma_semaphore, #tpu.memory_space<semaphore_mem>>)
    %add3A_63 = arith.constant 128 : i32
    %add3A_64 = arith.addi %multiple_of3A, %add3A_63 : i32
    %multiple_of3A_65 = tpu.assume_multiple %add3A_64, 8 : i32
    "tpu.region"() ({
      %run_scoped3A = tpu.sem_alloc : memref<!tpu.dma_semaphore, #tpu.memory_space<semaphore_mem>>
      %dma_start3A_144 = arith.constant 0 : i32
      %dma_start3A_145 = tpu.memref_slice %arg14[%multiple_of3A_65, %dma_start3A_144] : memref<10240x64xbf16, #tpu.memory_space<vmem_shared>> -> memref<128x64xbf16, #tpu.memory_space<vmem_shared>>
      %dma_start3A_146 = arith.constant 0 : i32
      %dma_start3A_147 = tpu.memref_slice %arg14[%multiple_of3A_65, %dma_start3A_146] : memref<10240x64xbf16, #tpu.memory_space<vmem_shared>> -> memref<128x64xbf16, #tpu.memory_space<vmem_shared>>
      tpu.enqueue_dma source(%dma_start3A_147 : memref<128x64xbf16, #tpu.memory_space<vmem_shared>>) target(%arg10 : memref<128x64xbf16, #tpu.memory_space<vmem>>) target_semaphore(%run_scoped3A : memref<!tpu.dma_semaphore, #tpu.memory_space<semaphore_mem>>)
      %dma_wait3A_148 = arith.constant 0 : i32
      %dma_wait3A_149 = tpu.memref_slice %arg14[%multiple_of3A_65, %dma_wait3A_148] : memref<10240x64xbf16, #tpu.memory_space<vmem_shared>> -> memref<128x64xbf16, #tpu.memory_space<vmem_shared>>
      %dma_wait3A_150 = arith.constant 0 : i32
      %dma_wait3A_151 = tpu.memref_slice %arg14[%multiple_of3A_65, %dma_wait3A_150] : memref<10240x64xbf16, #tpu.memory_space<vmem_shared>> -> memref<128x64xbf16, #tpu.memory_space<vmem_shared>>
      tpu.wait_dma2 semaphore(%run_scoped3A : memref<!tpu.dma_semaphore, #tpu.memory_space<semaphore_mem>>) src(%dma_wait3A_151 : memref<128x64xbf16, #tpu.memory_space<vmem_shared>>) dst(%arg10 : memref<128x64xbf16, #tpu.memory_space<vmem>>)
      tpu.yield
    }) : () -> ()
    %dma_start3A_66 = arith.constant 0 : i32
    %dma_start3A_67 = tpu.memref_slice %arg6[%arg0, %multiple_of3A_65, %dma_start3A_66] : memref<2x10240x64xbf16, #tpu.memory_space<hbm>> -> memref<1x128x64xbf16, #tpu.memory_space<hbm>>
    %dma_start3A_68 = tpu.memref_squeeze %dma_start3A_67 : memref<1x128x64xbf16, #tpu.memory_space<hbm>> -> memref<128x64xbf16, #tpu.memory_space<hbm>>
    %dma_start3A_69 = arith.constant 0 : i32
    %dma_start3A_70 = tpu.memref_slice %arg6[%arg0, %multiple_of3A_65, %dma_start3A_69] : memref<2x10240x64xbf16, #tpu.memory_space<hbm>> -> memref<1x128x64xbf16, #tpu.memory_space<hbm>>
    %dma_start3A_71 = tpu.memref_squeeze %dma_start3A_70 : memref<1x128x64xbf16, #tpu.memory_space<hbm>> -> memref<128x64xbf16, #tpu.memory_space<hbm>>
    tpu.enqueue_dma source(%arg10 : memref<128x64xbf16, #tpu.memory_space<vmem>>) target(%dma_start3A_71 : memref<128x64xbf16, #tpu.memory_space<hbm>>) target_semaphore(%arg16 : memref<!tpu.dma_semaphore, #tpu.memory_space<semaphore_mem>>)
    %add3A_72 = arith.constant 256 : i32
    %add3A_73 = arith.addi %multiple_of3A, %add3A_72 : i32
    %multiple_of3A_74 = tpu.assume_multiple %add3A_73, 8 : i32
    %add3A_75 = arith.constant 0 : i32
    %add3A_76 = arith.addi %multiple_of3A, %add3A_75 : i32
    %multiple_of3A_77 = tpu.assume_multiple %add3A_76, 8 : i32
    %dma_wait3A_78 = arith.constant 0 : i32
    %dma_wait3A_79 = tpu.memref_slice %arg6[%arg0, %multiple_of3A_77, %dma_wait3A_78] : memref<2x10240x64xbf16, #tpu.memory_space<hbm>> -> memref<1x128x64xbf16, #tpu.memory_space<hbm>>
    %dma_wait3A_80 = tpu.memref_squeeze %dma_wait3A_79 : memref<1x128x64xbf16, #tpu.memory_space<hbm>> -> memref<128x64xbf16, #tpu.memory_space<hbm>>
    %dma_wait3A_81 = arith.constant 0 : i32
    %dma_wait3A_82 = tpu.memref_slice %arg6[%arg0, %multiple_of3A_77, %dma_wait3A_81] : memref<2x10240x64xbf16, #tpu.memory_space<hbm>> -> memref<1x128x64xbf16, #tpu.memory_space<hbm>>
    %dma_wait3A_83 = tpu.memref_squeeze %dma_wait3A_82 : memref<1x128x64xbf16, #tpu.memory_space<hbm>> -> memref<128x64xbf16, #tpu.memory_space<hbm>>
    tpu.wait_dma2 semaphore(%arg15 : memref<!tpu.dma_semaphore, #tpu.memory_space<semaphore_mem>>) src(%arg9 : memref<128x64xbf16, #tpu.memory_space<vmem>>) dst(%dma_wait3A_83 : memref<128x64xbf16, #tpu.memory_space<hbm>>)
    "tpu.region"() ({
      %run_scoped3A = tpu.sem_alloc : memref<!tpu.dma_semaphore, #tpu.memory_space<semaphore_mem>>
      %dma_start3A_144 = arith.constant 0 : i32
      %dma_start3A_145 = tpu.memref_slice %arg14[%multiple_of3A_74, %dma_start3A_144] : memref<10240x64xbf16, #tpu.memory_space<vmem_shared>> -> memref<128x64xbf16, #tpu.memory_space<vmem_shared>>
      %dma_start3A_146 = arith.constant 0 : i32
      %dma_start3A_147 = tpu.memref_slice %arg14[%multiple_of3A_74, %dma_start3A_146] : memref<10240x64xbf16, #tpu.memory_space<vmem_shared>> -> memref<128x64xbf16, #tpu.memory_space<vmem_shared>>
      tpu.enqueue_dma source(%dma_start3A_147 : memref<128x64xbf16, #tpu.memory_space<vmem_shared>>) target(%arg9 : memref<128x64xbf16, #tpu.memory_space<vmem>>) target_semaphore(%run_scoped3A : memref<!tpu.dma_semaphore, #tpu.memory_space<semaphore_mem>>)
      %dma_wait3A_148 = arith.constant 0 : i32
      %dma_wait3A_149 = tpu.memref_slice %arg14[%multiple_of3A_74, %dma_wait3A_148] : memref<10240x64xbf16, #tpu.memory_space<vmem_shared>> -> memref<128x64xbf16, #tpu.memory_space<vmem_shared>>
      %dma_wait3A_150 = arith.constant 0 : i32
      %dma_wait3A_151 = tpu.memref_slice %arg14[%multiple_of3A_74, %dma_wait3A_150] : memref<10240x64xbf16, #tpu.memory_space<vmem_shared>> -> memref<128x64xbf16, #tpu.memory_space<vmem_shared>>
      tpu.wait_dma2 semaphore(%run_scoped3A : memref<!tpu.dma_semaphore, #tpu.memory_space<semaphore_mem>>) src(%dma_wait3A_151 : memref<128x64xbf16, #tpu.memory_space<vmem_shared>>) dst(%arg9 : memref<128x64xbf16, #tpu.memory_space<vmem>>)
      tpu.yield
    }) : () -> ()
    %dma_start3A_84 = arith.constant 0 : i32
    %dma_start3A_85 = tpu.memref_slice %arg6[%arg0, %multiple_of3A_74, %dma_start3A_84] : memref<2x10240x64xbf16, #tpu.memory_space<hbm>> -> memref<1x128x64xbf16, #tpu.memory_space<hbm>>
    %dma_start3A_86 = tpu.memref_squeeze %dma_start3A_85 : memref<1x128x64xbf16, #tpu.memory_space<hbm>> -> memref<128x64xbf16, #tpu.memory_space<hbm>>
    %dma_start3A_87 = arith.constant 0 : i32
    %dma_start3A_88 = tpu.memref_slice %arg6[%arg0, %multiple_of3A_74, %dma_start3A_87] : memref<2x10240x64xbf16, #tpu.memory_space<hbm>> -> memref<1x128x64xbf16, #tpu.memory_space<hbm>>
    %dma_start3A_89 = tpu.memref_squeeze %dma_start3A_88 : memref<1x128x64xbf16, #tpu.memory_space<hbm>> -> memref<128x64xbf16, #tpu.memory_space<hbm>>
    tpu.enqueue_dma source(%arg9 : memref<128x64xbf16, #tpu.memory_space<vmem>>) target(%dma_start3A_89 : memref<128x64xbf16, #tpu.memory_space<hbm>>) target_semaphore(%arg15 : memref<!tpu.dma_semaphore, #tpu.memory_space<semaphore_mem>>)
    %add3A_90 = arith.constant 384 : i32
    %add3A_91 = arith.addi %multiple_of3A, %add3A_90 : i32
    %multiple_of3A_92 = tpu.assume_multiple %add3A_91, 8 : i32
    %add3A_93 = arith.constant 128 : i32
    %add3A_94 = arith.addi %multiple_of3A, %add3A_93 : i32
    %multiple_of3A_95 = tpu.assume_multiple %add3A_94, 8 : i32
    %dma_wait3A_96 = arith.constant 0 : i32
    %dma_wait3A_97 = tpu.memref_slice %arg6[%arg0, %multiple_of3A_95, %dma_wait3A_96] : memref<2x10240x64xbf16, #tpu.memory_space<hbm>> -> memref<1x128x64xbf16, #tpu.memory_space<hbm>>
    %dma_wait3A_98 = tpu.memref_squeeze %dma_wait3A_97 : memref<1x128x64xbf16, #tpu.memory_space<hbm>> -> memref<128x64xbf16, #tpu.memory_space<hbm>>
    %dma_wait3A_99 = arith.constant 0 : i32
    %dma_wait3A_100 = tpu.memref_slice %arg6[%arg0, %multiple_of3A_95, %dma_wait3A_99] : memref<2x10240x64xbf16, #tpu.memory_space<hbm>> -> memref<1x128x64xbf16, #tpu.memory_space<hbm>>
    %dma_wait3A_101 = tpu.memref_squeeze %dma_wait3A_100 : memref<1x128x64xbf16, #tpu.memory_space<hbm>> -> memref<128x64xbf16, #tpu.memory_space<hbm>>
    tpu.wait_dma2 semaphore(%arg16 : memref<!tpu.dma_semaphore, #tpu.memory_space<semaphore_mem>>) src(%arg10 : memref<128x64xbf16, #tpu.memory_space<vmem>>) dst(%dma_wait3A_101 : memref<128x64xbf16, #tpu.memory_space<hbm>>)
    "tpu.region"() ({
      %run_scoped3A = tpu.sem_alloc : memref<!tpu.dma_semaphore, #tpu.memory_space<semaphore_mem>>
      %dma_start3A_144 = arith.constant 0 : i32
      %dma_start3A_145 = tpu.memref_slice %arg14[%multiple_of3A_92, %dma_start3A_144] : memref<10240x64xbf16, #tpu.memory_space<vmem_shared>> -> memref<128x64xbf16, #tpu.memory_space<vmem_shared>>
      %dma_start3A_146 = arith.constant 0 : i32
      %dma_start3A_147 = tpu.memref_slice %arg14[%multiple_of3A_92, %dma_start3A_146] : memref<10240x64xbf16, #tpu.memory_space<vmem_shared>> -> memref<128x64xbf16, #tpu.memory_space<vmem_shared>>
      tpu.enqueue_dma source(%dma_start3A_147 : memref<128x64xbf16, #tpu.memory_space<vmem_shared>>) target(%arg10 : memref<128x64xbf16, #tpu.memory_space<vmem>>) target_semaphore(%run_scoped3A : memref<!tpu.dma_semaphore, #tpu.memory_space<semaphore_mem>>)
      %dma_wait3A_148 = arith.constant 0 : i32
      %dma_wait3A_149 = tpu.memref_slice %arg14[%multiple_of3A_92, %dma_wait3A_148] : memref<10240x64xbf16, #tpu.memory_space<vmem_shared>> -> memref<128x64xbf16, #tpu.memory_space<vmem_shared>>
      %dma_wait3A_150 = arith.constant 0 : i32
      %dma_wait3A_151 = tpu.memref_slice %arg14[%multiple_of3A_92, %dma_wait3A_150] : memref<10240x64xbf16, #tpu.memory_space<vmem_shared>> -> memref<128x64xbf16, #tpu.memory_space<vmem_shared>>
      tpu.wait_dma2 semaphore(%run_scoped3A : memref<!tpu.dma_semaphore, #tpu.memory_space<semaphore_mem>>) src(%dma_wait3A_151 : memref<128x64xbf16, #tpu.memory_space<vmem_shared>>) dst(%arg10 : memref<128x64xbf16, #tpu.memory_space<vmem>>)
      tpu.yield
    }) : () -> ()
    %dma_start3A_102 = arith.constant 0 : i32
    %dma_start3A_103 = tpu.memref_slice %arg6[%arg0, %multiple_of3A_92, %dma_start3A_102] : memref<2x10240x64xbf16, #tpu.memory_space<hbm>> -> memref<1x128x64xbf16, #tpu.memory_space<hbm>>
    %dma_start3A_104 = tpu.memref_squeeze %dma_start3A_103 : memref<1x128x64xbf16, #tpu.memory_space<hbm>> -> memref<128x64xbf16, #tpu.memory_space<hbm>>
    %dma_start3A_105 = arith.constant 0 : i32
    %dma_start3A_106 = tpu.memref_slice %arg6[%arg0, %multiple_of3A_92, %dma_start3A_105] : memref<2x10240x64xbf16, #tpu.memory_space<hbm>> -> memref<1x128x64xbf16, #tpu.memory_space<hbm>>
    %dma_start3A_107 = tpu.memref_squeeze %dma_start3A_106 : memref<1x128x64xbf16, #tpu.memory_space<hbm>> -> memref<128x64xbf16, #tpu.memory_space<hbm>>
    tpu.enqueue_dma source(%arg10 : memref<128x64xbf16, #tpu.memory_space<vmem>>) target(%dma_start3A_107 : memref<128x64xbf16, #tpu.memory_space<hbm>>) target_semaphore(%arg16 : memref<!tpu.dma_semaphore, #tpu.memory_space<semaphore_mem>>)
    %add3A_108 = arith.constant 512 : i32
    %add3A_109 = arith.addi %multiple_of3A, %add3A_108 : i32
    %multiple_of3A_110 = tpu.assume_multiple %add3A_109, 8 : i32
    %add3A_111 = arith.constant 256 : i32
    %add3A_112 = arith.addi %multiple_of3A, %add3A_111 : i32
    %multiple_of3A_113 = tpu.assume_multiple %add3A_112, 8 : i32
    %dma_wait3A_114 = arith.constant 0 : i32
    %dma_wait3A_115 = tpu.memref_slice %arg6[%arg0, %multiple_of3A_113, %dma_wait3A_114] : memref<2x10240x64xbf16, #tpu.memory_space<hbm>> -> memref<1x128x64xbf16, #tpu.memory_space<hbm>>
    %dma_wait3A_116 = tpu.memref_squeeze %dma_wait3A_115 : memref<1x128x64xbf16, #tpu.memory_space<hbm>> -> memref<128x64xbf16, #tpu.memory_space<hbm>>
    %dma_wait3A_117 = arith.constant 0 : i32
    %dma_wait3A_118 = tpu.memref_slice %arg6[%arg0, %multiple_of3A_113, %dma_wait3A_117] : memref<2x10240x64xbf16, #tpu.memory_space<hbm>> -> memref<1x128x64xbf16, #tpu.memory_space<hbm>>
    %dma_wait3A_119 = tpu.memref_squeeze %dma_wait3A_118 : memref<1x128x64xbf16, #tpu.memory_space<hbm>> -> memref<128x64xbf16, #tpu.memory_space<hbm>>
    tpu.wait_dma2 semaphore(%arg15 : memref<!tpu.dma_semaphore, #tpu.memory_space<semaphore_mem>>) src(%arg9 : memref<128x64xbf16, #tpu.memory_space<vmem>>) dst(%dma_wait3A_119 : memref<128x64xbf16, #tpu.memory_space<hbm>>)
    "tpu.region"() ({
      %run_scoped3A = tpu.sem_alloc : memref<!tpu.dma_semaphore, #tpu.memory_space<semaphore_mem>>
      %dma_start3A_144 = arith.constant 0 : i32
      %dma_start3A_145 = tpu.memref_slice %arg14[%multiple_of3A_110, %dma_start3A_144] : memref<10240x64xbf16, #tpu.memory_space<vmem_shared>> -> memref<128x64xbf16, #tpu.memory_space<vmem_shared>>
      %dma_start3A_146 = arith.constant 0 : i32
      %dma_start3A_147 = tpu.memref_slice %arg14[%multiple_of3A_110, %dma_start3A_146] : memref<10240x64xbf16, #tpu.memory_space<vmem_shared>> -> memref<128x64xbf16, #tpu.memory_space<vmem_shared>>
      tpu.enqueue_dma source(%dma_start3A_147 : memref<128x64xbf16, #tpu.memory_space<vmem_shared>>) target(%arg9 : memref<128x64xbf16, #tpu.memory_space<vmem>>) target_semaphore(%run_scoped3A : memref<!tpu.dma_semaphore, #tpu.memory_space<semaphore_mem>>)
      %dma_wait3A_148 = arith.constant 0 : i32
      %dma_wait3A_149 = tpu.memref_slice %arg14[%multiple_of3A_110, %dma_wait3A_148] : memref<10240x64xbf16, #tpu.memory_space<vmem_shared>> -> memref<128x64xbf16, #tpu.memory_space<vmem_shared>>
      %dma_wait3A_150 = arith.constant 0 : i32
      %dma_wait3A_151 = tpu.memref_slice %arg14[%multiple_of3A_110, %dma_wait3A_150] : memref<10240x64xbf16, #tpu.memory_space<vmem_shared>> -> memref<128x64xbf16, #tpu.memory_space<vmem_shared>>
      tpu.wait_dma2 semaphore(%run_scoped3A : memref<!tpu.dma_semaphore, #tpu.memory_space<semaphore_mem>>) src(%dma_wait3A_151 : memref<128x64xbf16, #tpu.memory_space<vmem_shared>>) dst(%arg9 : memref<128x64xbf16, #tpu.memory_space<vmem>>)
      tpu.yield
    }) : () -> ()
    %dma_start3A_120 = arith.constant 0 : i32
    %dma_start3A_121 = tpu.memref_slice %arg6[%arg0, %multiple_of3A_110, %dma_start3A_120] : memref<2x10240x64xbf16, #tpu.memory_space<hbm>> -> memref<1x128x64xbf16, #tpu.memory_space<hbm>>
    %dma_start3A_122 = tpu.memref_squeeze %dma_start3A_121 : memref<1x128x64xbf16, #tpu.memory_space<hbm>> -> memref<128x64xbf16, #tpu.memory_space<hbm>>
    %dma_start3A_123 = arith.constant 0 : i32
    %dma_start3A_124 = tpu.memref_slice %arg6[%arg0, %multiple_of3A_110, %dma_start3A_123] : memref<2x10240x64xbf16, #tpu.memory_space<hbm>> -> memref<1x128x64xbf16, #tpu.memory_space<hbm>>
    %dma_start3A_125 = tpu.memref_squeeze %dma_start3A_124 : memref<1x128x64xbf16, #tpu.memory_space<hbm>> -> memref<128x64xbf16, #tpu.memory_space<hbm>>
    tpu.enqueue_dma source(%arg9 : memref<128x64xbf16, #tpu.memory_space<vmem>>) target(%dma_start3A_125 : memref<128x64xbf16, #tpu.memory_space<hbm>>) target_semaphore(%arg15 : memref<!tpu.dma_semaphore, #tpu.memory_space<semaphore_mem>>)
    %add3A_126 = arith.constant 384 : i32
    %add3A_127 = arith.addi %multiple_of3A, %add3A_126 : i32
    %multiple_of3A_128 = tpu.assume_multiple %add3A_127, 8 : i32
    %dma_wait3A_129 = arith.constant 0 : i32
    %dma_wait3A_130 = tpu.memref_slice %arg6[%arg0, %multiple_of3A_128, %dma_wait3A_129] : memref<2x10240x64xbf16, #tpu.memory_space<hbm>> -> memref<1x128x64xbf16, #tpu.memory_space<hbm>>
    %dma_wait3A_131 = tpu.memref_squeeze %dma_wait3A_130 : memref<1x128x64xbf16, #tpu.memory_space<hbm>> -> memref<128x64xbf16, #tpu.memory_space<hbm>>
    %dma_wait3A_132 = arith.constant 0 : i32
    %dma_wait3A_133 = tpu.memref_slice %arg6[%arg0, %multiple_of3A_128, %dma_wait3A_132] : memref<2x10240x64xbf16, #tpu.memory_space<hbm>> -> memref<1x128x64xbf16, #tpu.memory_space<hbm>>
    %dma_wait3A_134 = tpu.memref_squeeze %dma_wait3A_133 : memref<1x128x64xbf16, #tpu.memory_space<hbm>> -> memref<128x64xbf16, #tpu.memory_space<hbm>>
    tpu.wait_dma2 semaphore(%arg16 : memref<!tpu.dma_semaphore, #tpu.memory_space<semaphore_mem>>) src(%arg10 : memref<128x64xbf16, #tpu.memory_space<vmem>>) dst(%dma_wait3A_134 : memref<128x64xbf16, #tpu.memory_space<hbm>>)
    %add3A_135 = arith.constant 512 : i32
    %add3A_136 = arith.addi %multiple_of3A, %add3A_135 : i32
    %multiple_of3A_137 = tpu.assume_multiple %add3A_136, 8 : i32
    %dma_wait3A_138 = arith.constant 0 : i32
    %dma_wait3A_139 = tpu.memref_slice %arg6[%arg0, %multiple_of3A_137, %dma_wait3A_138] : memref<2x10240x64xbf16, #tpu.memory_space<hbm>> -> memref<1x128x64xbf16, #tpu.memory_space<hbm>>
    %dma_wait3A_140 = tpu.memref_squeeze %dma_wait3A_139 : memref<1x128x64xbf16, #tpu.memory_space<hbm>> -> memref<128x64xbf16, #tpu.memory_space<hbm>>
    %dma_wait3A_141 = arith.constant 0 : i32
    %dma_wait3A_142 = tpu.memref_slice %arg6[%arg0, %multiple_of3A_137, %dma_wait3A_141] : memref<2x10240x64xbf16, #tpu.memory_space<hbm>> -> memref<1x128x64xbf16, #tpu.memory_space<hbm>>
    %dma_wait3A_143 = tpu.memref_squeeze %dma_wait3A_142 : memref<1x128x64xbf16, #tpu.memory_space<hbm>> -> memref<128x64xbf16, #tpu.memory_space<hbm>>
    tpu.wait_dma2 semaphore(%arg15 : memref<!tpu.dma_semaphore, #tpu.memory_space<semaphore_mem>>) src(%arg9 : memref<128x64xbf16, #tpu.memory_space<vmem>>) dst(%dma_wait3A_143 : memref<128x64xbf16, #tpu.memory_space<hbm>>)
    return
  }
}

#map = affine_map<(d0, d1) -> (0, 0, 0)>
#map1 = affine_map<(d0, d1) -> (0)>
#map2 = affine_map<(d0, d1) -> (0, 0)>
module attributes {stable_mosaic.version = 14 : i64} {
  func.func @_deg_kernel(%arg0: i32, %arg1: i32, %arg2: memref<32x40x128xi32, #tpu.memory_space<hbm>>, %arg3: memref<640xf32, #tpu.memory_space<hbm>>, %arg4: memref<2x10240xf32, #tpu.memory_space<hbm>>, %arg5: memref<40x128xi32, #tpu.memory_space<vmem>>, %arg6: memref<128xf32, #tpu.memory_space<vmem>>, %arg7: memref<10240xf32, #tpu.memory_space<vmem_shared>>, %arg8: memref<!tpu.dma_semaphore, #tpu.memory_space<semaphore_mem>>, %arg9: memref<!tpu.dma_semaphore, #tpu.memory_space<semaphore_mem>>) attributes {dimension_semantics = [#tpu.dimension_semantics<core_parallel>, #tpu.dimension_semantics<subcore_parallel>], iteration_bounds = array<i64: 2, 16>, scalar_prefetch = 0 : i64, scratch_operands = 5 : i64, tpu.core_type = #tpu.core_type<sc_vector_subcore>, window_params = [{transform_indices = #map}, {transform_indices = #map1}, {transform_indices = #map2}]} {
    %mul3A = arith.constant 2 : i32
    %mul3A_0 = arith.muli %arg1, %mul3A : i32
    %add3A = arith.addi %mul3A_0, %arg0 : i32
    %scan3A = arith.constant 0 : i32
    %scan3A_1 = arith.constant 0 : i32
    %scan3A_2 = arith.constant 8 : i32
    %scan3A_3 = arith.addi %scan3A_1, %scan3A_2 : i32
    %scan3A_4 = arith.constant 1 : i32
    scf.for %scan3A_26 = %scan3A_1 to %scan3A_3 step %scan3A_4  : i32 {
      %broadcast_in_dim3A = arith.constant 1.000000e+00 : f32
      %broadcast_in_dim3A_27 = vector.broadcast %broadcast_in_dim3A : f32 to vector<16xf32>
      %mul3A_28 = arith.constant 16 : i32
      %mul3A_29 = arith.muli %scan3A_26, %mul3A_28 : i32
      %swap3A = arith.index_cast %mul3A_29 : i32 to index
      %swap3A_30 = tpu.vector_load %arg6[%swap3A] {strides = array<i32>} : memref<128xf32, #tpu.memory_space<vmem>>, vector<16xf32>,
      %swap3A_31 = vector.shape_cast %swap3A_30 : vector<16xf32> to vector<16xf32>
      %swap3A_32 = vector.shape_cast %broadcast_in_dim3A_27 : vector<16xf32> to vector<16xf32>
      tpu.vector_store %arg6[%swap3A], %swap3A_32 {strides = array<i32>} : memref<128xf32, #tpu.memory_space<vmem>>, vector<16xf32>,
    }
    %scan3A_5 = arith.constant 8 : i32
    %mul3A_6 = arith.constant 640 : i32
    %mul3A_7 = arith.muli %arg1, %mul3A_6 : i32
    %multiple_of3A = tpu.assume_multiple %mul3A_7, 8 : i32
    "tpu.region"() ({
      %run_scoped3A = tpu.sem_alloc : memref<!tpu.dma_semaphore, #tpu.memory_space<semaphore_mem>>
      %dma_start3A_26 = tpu.memref_slice %arg7[%multiple_of3A] : memref<10240xf32, #tpu.memory_space<vmem_shared>> -> memref<640xf32, #tpu.memory_space<vmem_shared>>
      tpu.enqueue_dma source(%arg3 : memref<640xf32, #tpu.memory_space<hbm>>) target(%dma_start3A_26 : memref<640xf32, #tpu.memory_space<vmem_shared>>) target_semaphore(%run_scoped3A : memref<!tpu.dma_semaphore, #tpu.memory_space<semaphore_mem>>)
      %dma_wait3A = tpu.memref_slice %arg7[%multiple_of3A] : memref<10240xf32, #tpu.memory_space<vmem_shared>> -> memref<640xf32, #tpu.memory_space<vmem_shared>>
      tpu.wait_dma2 semaphore(%run_scoped3A : memref<!tpu.dma_semaphore, #tpu.memory_space<semaphore_mem>>) src(%arg3 : memref<640xf32, #tpu.memory_space<hbm>>) dst(%dma_wait3A : memref<640xf32, #tpu.memory_space<vmem_shared>>)
      tpu.yield
    }) : () -> ()
    "tpu.region"() ({
      %run_scoped3A = tpu.sem_alloc : memref<!tpu.dma_semaphore, #tpu.memory_space<semaphore_mem>>
      %dma_start3A_26 = arith.constant 0 : i32
      %dma_start3A_27 = arith.constant 0 : i32
      %dma_start3A_28 = tpu.memref_slice %arg2[%add3A, %dma_start3A_26, %dma_start3A_27] : memref<32x40x128xi32, #tpu.memory_space<hbm>> -> memref<1x40x128xi32, #tpu.memory_space<hbm>>
      %dma_start3A_29 = tpu.memref_squeeze %dma_start3A_28 : memref<1x40x128xi32, #tpu.memory_space<hbm>> -> memref<40x128xi32, #tpu.memory_space<hbm>>
      %dma_start3A_30 = arith.constant 0 : i32
      %dma_start3A_31 = arith.constant 0 : i32
      %dma_start3A_32 = tpu.memref_slice %arg2[%add3A, %dma_start3A_30, %dma_start3A_31] : memref<32x40x128xi32, #tpu.memory_space<hbm>> -> memref<1x40x128xi32, #tpu.memory_space<hbm>>
      %dma_start3A_33 = tpu.memref_squeeze %dma_start3A_32 : memref<1x40x128xi32, #tpu.memory_space<hbm>> -> memref<40x128xi32, #tpu.memory_space<hbm>>
      tpu.enqueue_dma source(%dma_start3A_33 : memref<40x128xi32, #tpu.memory_space<hbm>>) target(%arg5 : memref<40x128xi32, #tpu.memory_space<vmem>>) target_semaphore(%run_scoped3A : memref<!tpu.dma_semaphore, #tpu.memory_space<semaphore_mem>>)
      %dma_wait3A = arith.constant 0 : i32
      %dma_wait3A_34 = arith.constant 0 : i32
      %dma_wait3A_35 = tpu.memref_slice %arg2[%add3A, %dma_wait3A, %dma_wait3A_34] : memref<32x40x128xi32, #tpu.memory_space<hbm>> -> memref<1x40x128xi32, #tpu.memory_space<hbm>>
      %dma_wait3A_36 = tpu.memref_squeeze %dma_wait3A_35 : memref<1x40x128xi32, #tpu.memory_space<hbm>> -> memref<40x128xi32, #tpu.memory_space<hbm>>
      %dma_wait3A_37 = arith.constant 0 : i32
      %dma_wait3A_38 = arith.constant 0 : i32
      %dma_wait3A_39 = tpu.memref_slice %arg2[%add3A, %dma_wait3A_37, %dma_wait3A_38] : memref<32x40x128xi32, #tpu.memory_space<hbm>> -> memref<1x40x128xi32, #tpu.memory_space<hbm>>
      %dma_wait3A_40 = tpu.memref_squeeze %dma_wait3A_39 : memref<1x40x128xi32, #tpu.memory_space<hbm>> -> memref<40x128xi32, #tpu.memory_space<hbm>>
      tpu.wait_dma2 semaphore(%run_scoped3A : memref<!tpu.dma_semaphore, #tpu.memory_space<semaphore_mem>>) src(%dma_wait3A_40 : memref<40x128xi32, #tpu.memory_space<hbm>>) dst(%arg5 : memref<40x128xi32, #tpu.memory_space<vmem>>)
      tpu.yield
    }) : () -> ()
    %barrier3A = arith.constant 0 : index
    tpu.barrier barrier_id(%barrier3A)
    %dma_start3A = arith.constant 0 : i32
    %dma_start3A_8 = arith.constant 0 : i32
    %dma_start3A_9 = tpu.memref_slice %arg5[%dma_start3A, %dma_start3A_8] : memref<40x128xi32, #tpu.memory_space<vmem>> -> memref<1x128xi32, #tpu.memory_space<vmem>>
    %dma_start3A_10 = tpu.memref_squeeze %dma_start3A_9 : memref<1x128xi32, #tpu.memory_space<vmem>> -> memref<128xi32, #tpu.memory_space<vmem>>
    %dma_start3A_11 = arith.constant 0 : i32
    %dma_start3A_12 = tpu.memref_slice %arg7[%dma_start3A_11] : memref<10240xf32, #tpu.memory_space<vmem_shared>> -> memref<10240xf32, #tpu.memory_space<vmem_shared>>
    tpu.enqueue_indirect_dma source(%arg6 : memref<128xf32, #tpu.memory_space<vmem>>) target(%dma_start3A_12 : memref<10240xf32, #tpu.memory_space<vmem_shared>>) offsets(%dma_start3A_10 : memref<128xi32, #tpu.memory_space<vmem>>) semaphore(%arg8 : memref<!tpu.dma_semaphore, #tpu.memory_space<semaphore_mem>>) {add = true}
    %dma_start3A_13 = arith.constant 1 : i32
    %dma_start3A_14 = arith.constant 0 : i32
    %dma_start3A_15 = tpu.memref_slice %arg5[%dma_start3A_13, %dma_start3A_14] : memref<40x128xi32, #tpu.memory_space<vmem>> -> memref<1x128xi32, #tpu.memory_space<vmem>>
    %dma_start3A_16 = tpu.memref_squeeze %dma_start3A_15 : memref<1x128xi32, #tpu.memory_space<vmem>> -> memref<128xi32, #tpu.memory_space<vmem>>
    %dma_start3A_17 = arith.constant 0 : i32
    %dma_start3A_18 = tpu.memref_slice %arg7[%dma_start3A_17] : memref<10240xf32, #tpu.memory_space<vmem_shared>> -> memref<10240xf32, #tpu.memory_space<vmem_shared>>
    tpu.enqueue_indirect_dma source(%arg6 : memref<128xf32, #tpu.memory_space<vmem>>) target(%dma_start3A_18 : memref<10240xf32, #tpu.memory_space<vmem_shared>>) offsets(%dma_start3A_16 : memref<128xi32, #tpu.memory_space<vmem>>) semaphore(%arg9 : memref<!tpu.dma_semaphore, #tpu.memory_space<semaphore_mem>>) {add = true}
    %scan3A_19 = arith.constant 0 : i32
    %scan3A_20 = arith.constant 0 : i32
    %scan3A_21 = arith.constant 20 : i32
    %scan3A_22 = arith.addi %scan3A_20, %scan3A_21 : i32
    %scan3A_23 = arith.constant 1 : i32
    scf.for %scan3A_26 = %scan3A_20 to %scan3A_22 step %scan3A_23  : i32 {
      %mul3A_27 = arith.constant 2 : i32
      %mul3A_28 = arith.muli %mul3A_27, %scan3A_26 : i32
      %add3A_29 = arith.constant 0 : i32
      %add3A_30 = arith.addi %mul3A_28, %add3A_29 : i32
      %dma_wait3A = arith.constant 0 : i32
      %dma_wait3A_31 = tpu.memref_slice %arg5[%add3A_30, %dma_wait3A] : memref<40x128xi32, #tpu.memory_space<vmem>> -> memref<1x128xi32, #tpu.memory_space<vmem>>
      %dma_wait3A_32 = tpu.memref_squeeze %dma_wait3A_31 : memref<1x128xi32, #tpu.memory_space<vmem>> -> memref<128xi32, #tpu.memory_space<vmem>>
      %dma_wait3A_33 = arith.constant 0 : i32
      %dma_wait3A_34 = tpu.memref_slice %arg7[%dma_wait3A_33] : memref<10240xf32, #tpu.memory_space<vmem_shared>> -> memref<10240xf32, #tpu.memory_space<vmem_shared>>
      tpu.wait_indirect_dma semaphore(%arg8 : memref<!tpu.dma_semaphore, #tpu.memory_space<semaphore_mem>>) src(%arg6 : memref<128xf32, #tpu.memory_space<vmem>>) dst(%dma_wait3A_34 : memref<10240xf32, #tpu.memory_space<vmem_shared>>)
      %add3A_35 = arith.constant 2 : i32
      %add3A_36 = arith.addi %add3A_30, %add3A_35 : i32
      %lt3A = arith.constant 40 : i32
      %lt3A_37 = arith.cmpi slt, %add3A_36, %lt3A : i32
      %convert_element_type3A = arith.extui %lt3A_37 : i1 to i32
      %cond3A = arith.constant 0 : i32
      %cond3A_38 = arith.cmpi ne, %convert_element_type3A, %cond3A : i32
      scf.if %cond3A_38 {
        %add3A_55 = arith.constant 2 : i32
        %add3A_56 = arith.addi %add3A_30, %add3A_55 : i32
        %dma_start3A_57 = arith.constant 0 : i32
        %dma_start3A_58 = tpu.memref_slice %arg5[%add3A_56, %dma_start3A_57] : memref<40x128xi32, #tpu.memory_space<vmem>> -> memref<1x128xi32, #tpu.memory_space<vmem>>
        %dma_start3A_59 = tpu.memref_squeeze %dma_start3A_58 : memref<1x128xi32, #tpu.memory_space<vmem>> -> memref<128xi32, #tpu.memory_space<vmem>>
        %dma_start3A_60 = arith.constant 0 : i32
        %dma_start3A_61 = tpu.memref_slice %arg7[%dma_start3A_60] : memref<10240xf32, #tpu.memory_space<vmem_shared>> -> memref<10240xf32, #tpu.memory_space<vmem_shared>>
        tpu.enqueue_indirect_dma source(%arg6 : memref<128xf32, #tpu.memory_space<vmem>>) target(%dma_start3A_61 : memref<10240xf32, #tpu.memory_space<vmem_shared>>) offsets(%dma_start3A_59 : memref<128xi32, #tpu.memory_space<vmem>>) semaphore(%arg8 : memref<!tpu.dma_semaphore, #tpu.memory_space<semaphore_mem>>) {add = true}
      } else {
      }
      %mul3A_39 = arith.constant 2 : i32
      %mul3A_40 = arith.muli %mul3A_39, %scan3A_26 : i32
      %add3A_41 = arith.constant 1 : i32
      %add3A_42 = arith.addi %mul3A_40, %add3A_41 : i32
      %dma_wait3A_43 = arith.constant 0 : i32
      %dma_wait3A_44 = tpu.memref_slice %arg5[%add3A_42, %dma_wait3A_43] : memref<40x128xi32, #tpu.memory_space<vmem>> -> memref<1x128xi32, #tpu.memory_space<vmem>>
      %dma_wait3A_45 = tpu.memref_squeeze %dma_wait3A_44 : memref<1x128xi32, #tpu.memory_space<vmem>> -> memref<128xi32, #tpu.memory_space<vmem>>
      %dma_wait3A_46 = arith.constant 0 : i32
      %dma_wait3A_47 = tpu.memref_slice %arg7[%dma_wait3A_46] : memref<10240xf32, #tpu.memory_space<vmem_shared>> -> memref<10240xf32, #tpu.memory_space<vmem_shared>>
      tpu.wait_indirect_dma semaphore(%arg9 : memref<!tpu.dma_semaphore, #tpu.memory_space<semaphore_mem>>) src(%arg6 : memref<128xf32, #tpu.memory_space<vmem>>) dst(%dma_wait3A_47 : memref<10240xf32, #tpu.memory_space<vmem_shared>>)
      %add3A_48 = arith.constant 2 : i32
      %add3A_49 = arith.addi %add3A_42, %add3A_48 : i32
      %lt3A_50 = arith.constant 40 : i32
      %lt3A_51 = arith.cmpi slt, %add3A_49, %lt3A_50 : i32
      %convert_element_type3A_52 = arith.extui %lt3A_51 : i1 to i32
      %cond3A_53 = arith.constant 0 : i32
      %cond3A_54 = arith.cmpi ne, %convert_element_type3A_52, %cond3A_53 : i32
      scf.if %cond3A_54 {
        %add3A_55 = arith.constant 2 : i32
        %add3A_56 = arith.addi %add3A_42, %add3A_55 : i32
        %dma_start3A_57 = arith.constant 0 : i32
        %dma_start3A_58 = tpu.memref_slice %arg5[%add3A_56, %dma_start3A_57] : memref<40x128xi32, #tpu.memory_space<vmem>> -> memref<1x128xi32, #tpu.memory_space<vmem>>
        %dma_start3A_59 = tpu.memref_squeeze %dma_start3A_58 : memref<1x128xi32, #tpu.memory_space<vmem>> -> memref<128xi32, #tpu.memory_space<vmem>>
        %dma_start3A_60 = arith.constant 0 : i32
        %dma_start3A_61 = tpu.memref_slice %arg7[%dma_start3A_60] : memref<10240xf32, #tpu.memory_space<vmem_shared>> -> memref<10240xf32, #tpu.memory_space<vmem_shared>>
        tpu.enqueue_indirect_dma source(%arg6 : memref<128xf32, #tpu.memory_space<vmem>>) target(%dma_start3A_61 : memref<10240xf32, #tpu.memory_space<vmem_shared>>) offsets(%dma_start3A_59 : memref<128xi32, #tpu.memory_space<vmem>>) semaphore(%arg9 : memref<!tpu.dma_semaphore, #tpu.memory_space<semaphore_mem>>) {add = true}
      } else {
      }
    }
    %scan3A_24 = arith.constant 20 : i32
    %barrier3A_25 = arith.constant 0 : index
    tpu.barrier barrier_id(%barrier3A_25)
    "tpu.region"() ({
      %run_scoped3A = tpu.sem_alloc : memref<!tpu.dma_semaphore, #tpu.memory_space<semaphore_mem>>
      %dma_start3A_26 = tpu.memref_slice %arg4[%arg0, %multiple_of3A] : memref<2x10240xf32, #tpu.memory_space<hbm>> -> memref<1x640xf32, #tpu.memory_space<hbm>>
      %dma_start3A_27 = tpu.memref_squeeze %dma_start3A_26 : memref<1x640xf32, #tpu.memory_space<hbm>> -> memref<640xf32, #tpu.memory_space<hbm>>
      %dma_start3A_28 = tpu.memref_slice %arg7[%multiple_of3A] : memref<10240xf32, #tpu.memory_space<vmem_shared>> -> memref<640xf32, #tpu.memory_space<vmem_shared>>
      tpu.enqueue_dma source(%dma_start3A_28 : memref<640xf32, #tpu.memory_space<vmem_shared>>) target(%dma_start3A_27 : memref<640xf32, #tpu.memory_space<hbm>>) target_semaphore(%run_scoped3A : memref<!tpu.dma_semaphore, #tpu.memory_space<semaphore_mem>>)
      %dma_wait3A = tpu.memref_slice %arg4[%arg0, %multiple_of3A] : memref<2x10240xf32, #tpu.memory_space<hbm>> -> memref<1x640xf32, #tpu.memory_space<hbm>>
      %dma_wait3A_29 = tpu.memref_squeeze %dma_wait3A : memref<1x640xf32, #tpu.memory_space<hbm>> -> memref<640xf32, #tpu.memory_space<hbm>>
      %dma_wait3A_30 = tpu.memref_slice %arg7[%multiple_of3A] : memref<10240xf32, #tpu.memory_space<vmem_shared>> -> memref<640xf32, #tpu.memory_space<vmem_shared>>
      tpu.wait_dma2 semaphore(%run_scoped3A : memref<!tpu.dma_semaphore, #tpu.memory_space<semaphore_mem>>) src(%dma_wait3A_30 : memref<640xf32, #tpu.memory_space<vmem_shared>>) dst(%dma_wait3A_29 : memref<640xf32, #tpu.memory_space<hbm>>)
      tpu.yield
    }) : () -> ()
    return
  }
}

module attributes {stable_mosaic.version = 14 : i64} {
  func.func @_prep_body(%arg0: i32, %arg1: memref<2000x128xf32, #tpu.memory_space<vmem>>, %arg2: memref<2000x2xf32, #tpu.memory_space<vmem>>, %arg3: memref<2x2000x64xbf16, #tpu.memory_space<vmem>>, %arg4: memref<2000x1xf32, #tpu.memory_space<vmem>>) attributes {dimension_semantics = [#tpu.dimension_semantics<arbitrary>], iteration_bounds = array<i64: 5>, scalar_prefetch = 0 : i64, scratch_operands = 0 : i64, tpu.core_type = #tpu.core_type<tc>, window_params = [{transform_indices = @transform_0, window_bounds = array<i64: 2000, 128>}, {transform_indices = @transform_1, window_bounds = array<i64: 2000, 2>}, {transform_indices = @transform_2, window_bounds = array<i64: 2, 2000, 64>}, {transform_indices = @transform_3, window_bounds = array<i64: 2000, 1>}]} {
    %get3A = arith.constant 0 : index
    %get3A_0 = arith.constant 0 : index
    %get3A_1 = vector.load %arg2[%get3A, %get3A_0] : memref<2000x2xf32, #tpu.memory_space<vmem>>, vector<2000x1xf32>
    %add3A = arith.constant 1.000000e+00 : f32
    %add3A_2 = vector.broadcast %add3A : f32 to vector<2000x1xf32>
    %add3A_3 = arith.addf %add3A_2, %get3A_1 : vector<2000x1xf32>
    %get3A_4 = arith.constant 0 : index
    %get3A_5 = arith.constant 1 : index
    %get3A_6 = vector.load %arg2[%get3A_4, %get3A_5] : memref<2000x2xf32, #tpu.memory_space<vmem>>, vector<2000x1xf32>
    %add3A_7 = arith.addf %add3A_3, %get3A_6 : vector<2000x1xf32>
    %rsqrt3A = math.rsqrt %add3A_7 : vector<2000x1xf32>
    %swap3A = arith.constant 0 : index
    %swap3A_8 = arith.constant 0 : index
    %swap3A_9 = vector.load %arg4[%swap3A, %swap3A_8] : memref<2000x1xf32, #tpu.memory_space<vmem>>, vector<2000x1xf32>
    tpu.vector_store %arg4[%swap3A, %swap3A_8], %rsqrt3A {strides = array<i32>} : memref<2000x1xf32, #tpu.memory_space<vmem>>, vector<2000x1xf32>,
    %get3A_10 = arith.constant 0 : index
    %get3A_11 = arith.constant 0 : index
    %get3A_12 = vector.load %arg1[%get3A_10, %get3A_11] : memref<2000x128xf32, #tpu.memory_space<vmem>>, vector<2000x128xf32>
    %mul3A = vector.broadcast %rsqrt3A : vector<2000x1xf32> to vector<2000x128xf32>
    %mul3A_13 = arith.mulf %get3A_12, %mul3A : vector<2000x128xf32>
    %convert_element_type3A = arith.truncf %mul3A_13 : vector<2000x128xf32> to vector<2000x128xbf16>
    %slice3A = vector.extract_strided_slice %convert_element_type3A {offsets = [0, 0], sizes = [2000, 64], strides = [1, 1]} : vector<2000x128xbf16> to vector<2000x64xbf16>
    %swap3A_14 = arith.constant 0 : index
    %swap3A_15 = arith.constant 0 : index
    %swap3A_16 = arith.constant 0 : index
    %swap3A_17 = vector.load %arg3[%swap3A_14, %swap3A_15, %swap3A_16] : memref<2x2000x64xbf16, #tpu.memory_space<vmem>>, vector<1x2000x64xbf16>
    %swap3A_18 = vector.shape_cast %swap3A_17 : vector<1x2000x64xbf16> to vector<2000x64xbf16>
    %swap3A_19 = vector.shape_cast %slice3A : vector<2000x64xbf16> to vector<1x2000x64xbf16>
    tpu.vector_store %arg3[%swap3A_14, %swap3A_15, %swap3A_16], %swap3A_19 {strides = array<i32>} : memref<2x2000x64xbf16, #tpu.memory_space<vmem>>, vector<1x2000x64xbf16>,
    %slice3A_20 = vector.extract_strided_slice %convert_element_type3A {offsets = [0, 64], sizes = [2000, 64], strides = [1, 1]} : vector<2000x128xbf16> to vector<2000x64xbf16>
    %swap3A_21 = arith.constant 1 : index
    %swap3A_22 = arith.constant 0 : index
    %swap3A_23 = arith.constant 0 : index
    %swap3A_24 = vector.load %arg3[%swap3A_21, %swap3A_22, %swap3A_23] : memref<2x2000x64xbf16, #tpu.memory_space<vmem>>, vector<1x2000x64xbf16>
    %swap3A_25 = vector.shape_cast %swap3A_24 : vector<1x2000x64xbf16> to vector<2000x64xbf16>
    %swap3A_26 = vector.shape_cast %slice3A_20 : vector<2000x64xbf16> to vector<1x2000x64xbf16>
    tpu.vector_store %arg3[%swap3A_21, %swap3A_22, %swap3A_23], %swap3A_26 {strides = array<i32>} : memref<2x2000x64xbf16, #tpu.memory_space<vmem>>, vector<1x2000x64xbf16>,
    return
  }
  func.func @transform_0(%arg0: i32) -> (i32, i32) {
    %c0_i32 = arith.constant 0 : i32
    %c0_i32_0 = arith.constant 0 : i32
    return %arg0, %c0_i32 : i32, i32
  }
  func.func @transform_1(%arg0: i32) -> (i32, i32) {
    %c0_i32 = arith.constant 0 : i32
    %c0_i32_0 = arith.constant 0 : i32
    return %arg0, %c0_i32 : i32, i32
  }
  func.func @transform_2(%arg0: i32) -> (i32, i32, i32) {
    %c0_i32 = arith.constant 0 : i32
    %c0_i32_0 = arith.constant 0 : i32
    %c0_i32_1 = arith.constant 0 : i32
    return %c0_i32, %arg0, %c0_i32_0 : i32, i32, i32
  }
  func.func @transform_3(%arg0: i32) -> (i32, i32) {
    %c0_i32 = arith.constant 0 : i32
    %c0_i32_0 = arith.constant 0 : i32
    return %arg0, %c0_i32 : i32, i32
  }
}

module attributes {stable_mosaic.version = 14 : i64} {
  func.func @_finish_body(%arg0: i32, %arg1: i32, %arg2: memref<2x2000x64xbf16, #tpu.memory_space<vmem>>, %arg3: memref<2000x1xf32, #tpu.memory_space<vmem>>, %arg4: memref<2000x128xf32, #tpu.memory_space<vmem>>, %arg5: memref<8x128x128xf32, #tpu.memory_space<vmem>>, %arg6: memref<1x8x128xf32, #tpu.memory_space<vmem>>, %arg7: memref<128x256xf32, #tpu.memory_space<vmem>>, %arg8: memref<1x256xf32, #tpu.memory_space<vmem>>, %arg9: memref<256x128xf32, #tpu.memory_space<vmem>>, %arg10: memref<1x128xf32, #tpu.memory_space<vmem>>, %arg11: memref<2000x128xf32, #tpu.memory_space<vmem>>, %arg12: memref<10000x128xf32, #tpu.memory_space<vmem>>, %arg13: memref<128x128xf32, #tpu.memory_space<vmem>>, %arg14: memref<1x128xf32, #tpu.memory_space<vmem>>, %arg15: memref<128x128xf32, #tpu.memory_space<vmem>>, %arg16: memref<1x128xf32, #tpu.memory_space<vmem>>) attributes {dimension_semantics = [#tpu.dimension_semantics<arbitrary>, #tpu.dimension_semantics<arbitrary>], iteration_bounds = array<i64: 2, 5>, scalar_prefetch = 0 : i64, scratch_operands = 5 : i64, tpu.core_type = #tpu.core_type<tc>, window_params = [{transform_indices = @transform_0, window_bounds = array<i64: 2, 2000, 64>}, {transform_indices = @transform_1, window_bounds = array<i64: 2000, 1>}, {transform_indices = @transform_2, window_bounds = array<i64: 2000, 128>}, {pipeline_mode = #tpu.pipeline_mode<synchronous>, transform_indices = @transform_3, window_bounds = array<i64: 8, 128, 128>}, {pipeline_mode = #tpu.pipeline_mode<synchronous>, transform_indices = @transform_4, window_bounds = array<i64: 1, 8, 128>}, {pipeline_mode = #tpu.pipeline_mode<synchronous>, transform_indices = @transform_5, window_bounds = array<i64: 128, 256>}, {pipeline_mode = #tpu.pipeline_mode<synchronous>, transform_indices = @transform_6, window_bounds = array<i64: 1, 256>}, {pipeline_mode = #tpu.pipeline_mode<synchronous>, transform_indices = @transform_7, window_bounds = array<i64: 256, 128>}, {pipeline_mode = #tpu.pipeline_mode<synchronous>, transform_indices = @transform_8, window_bounds = array<i64: 1, 128>}, {transform_indices = @transform_9, window_bounds = array<i64: 2000, 128>}]} {
    %eq3A = arith.constant 0 : i32
    %eq3A_0 = arith.cmpi eq, %arg0, %eq3A : i32
    %convert_element_type3A = arith.extui %eq3A_0 : i1 to i32
    %cond3A = arith.constant 0 : i32
    %cond3A_1 = arith.cmpi ne, %convert_element_type3A, %cond3A : i32
    scf.if %cond3A_1 {
      %get3A = arith.constant 0 : index
      %get3A_14 = arith.constant 0 : index
      %get3A_15 = arith.constant 0 : index
      %get3A_16 = vector.load %arg2[%get3A, %get3A_14, %get3A_15] : memref<2x2000x64xbf16, #tpu.memory_space<vmem>>, vector<1x2000x64xbf16>
      %get3A_17 = vector.shape_cast %get3A_16 : vector<1x2000x64xbf16> to vector<2000x64xbf16>
      %get3A_18 = arith.constant 1 : index
      %get3A_19 = arith.constant 0 : index
      %get3A_20 = arith.constant 0 : index
      %get3A_21 = vector.load %arg2[%get3A_18, %get3A_19, %get3A_20] : memref<2x2000x64xbf16, #tpu.memory_space<vmem>>, vector<1x2000x64xbf16>
      %get3A_22 = vector.shape_cast %get3A_21 : vector<1x2000x64xbf16> to vector<2000x64xbf16>
      %concatenate3A = tpu.concatenate %get3A_17, %get3A_22 in 1 : vector<2000x64xbf16>, vector<2000x64xbf16> -> vector<2000x128xbf16>
      %convert_element_type3A_23 = arith.extf %concatenate3A : vector<2000x128xbf16> to vector<2000x128xf32>
      %get3A_24 = arith.constant 0 : index
      %get3A_25 = arith.constant 0 : index
      %get3A_26 = vector.load %arg3[%get3A_24, %get3A_25] : memref<2000x1xf32, #tpu.memory_space<vmem>>, vector<2000x1xf32>
      %mul3A = vector.broadcast %get3A_26 : vector<2000x1xf32> to vector<2000x128xf32>
      %mul3A_27 = arith.mulf %mul3A, %convert_element_type3A_23 : vector<2000x128xf32>
      %mul3A_28 = arith.mulf %get3A_26, %get3A_26 : vector<2000x1xf32>
      %get3A_29 = arith.constant 0 : index
      %get3A_30 = arith.constant 0 : index
      %get3A_31 = vector.load %arg4[%get3A_29, %get3A_30] : memref<2000x128xf32, #tpu.memory_space<vmem>>, vector<2000x128xf32>
      %mul3A_32 = vector.broadcast %mul3A_28 : vector<2000x1xf32> to vector<2000x128xf32>
      %mul3A_33 = arith.mulf %mul3A_32, %get3A_31 : vector<2000x128xf32>
      %add3A = arith.addf %mul3A_27, %mul3A_33 : vector<2000x128xf32>
      %mul3A_34 = arith.constant 2000 : i32
      %mul3A_35 = arith.muli %arg1, %mul3A_34 : i32
      %swap3A = arith.index_cast %mul3A_35 : i32 to index
      %swap3A_36 = arith.constant 0 : index
      %swap3A_37 = vector.load %arg12[%swap3A, %swap3A_36] : memref<10000x128xf32, #tpu.memory_space<vmem>>, vector<2000x128xf32>
      tpu.vector_store %arg12[%swap3A, %swap3A_36], %add3A {strides = array<i32>} : memref<10000x128xf32, #tpu.memory_space<vmem>>, vector<2000x128xf32>,
      %dot_general3A = arith.constant dense<0.000000e+00> : vector<128x128xf32>
      %dot_general3A_38 = tpu.matmul %add3A, %add3A, %dot_general3A {dimension_numbers = #tpu.dot_dimension_numbers<[0], [0], [1], [1], [0, 1, 1, 1], [], []>, transpose_lhs_hint = false} : vector<2000x128xf32>, vector<2000x128xf32>, vector<128x128xf32> -> vector<128x128xf32>
      %reduce_sum3A = arith.constant dense<0.000000e+00> : vector<128xf32>
      %reduce_sum3A_39 = vector.multi_reduction <add>, %add3A, %reduce_sum3A [0] : vector<2000x128xf32> to vector<128xf32>
      %broadcast_in_dim3A = vector.shape_cast %reduce_sum3A_39 : vector<128xf32> to vector<1x128xf32>
      %eq3A_40 = arith.constant 0 : i32
      %eq3A_41 = arith.cmpi eq, %arg1, %eq3A_40 : i32
      %convert_element_type3A_42 = arith.extui %eq3A_41 : i1 to i32
      %cond3A_43 = arith.constant 0 : i32
      %cond3A_44 = arith.cmpi ne, %convert_element_type3A_42, %cond3A_43 : i32
      scf.if %cond3A_44 {
        %swap3A_49 = arith.constant 0 : index
        %swap3A_50 = arith.constant 0 : index
        %swap3A_51 = vector.load %arg13[%swap3A_49, %swap3A_50] : memref<128x128xf32, #tpu.memory_space<vmem>>, vector<128x128xf32>
        tpu.vector_store %arg13[%swap3A_49, %swap3A_50], %dot_general3A_38 {strides = array<i32>} : memref<128x128xf32, #tpu.memory_space<vmem>>, vector<128x128xf32>,
        %swap3A_52 = arith.constant 0 : index
        %swap3A_53 = arith.constant 0 : index
        %swap3A_54 = vector.load %arg14[%swap3A_52, %swap3A_53] : memref<1x128xf32, #tpu.memory_space<vmem>>, vector<1x128xf32>
        tpu.vector_store %arg14[%swap3A_52, %swap3A_53], %broadcast_in_dim3A {strides = array<i32>} : memref<1x128xf32, #tpu.memory_space<vmem>>, vector<1x128xf32>,
      } else {
      }
      %gt3A = arith.constant 0 : i32
      %gt3A_45 = arith.cmpi sgt, %arg1, %gt3A : i32
      %convert_element_type3A_46 = arith.extui %gt3A_45 : i1 to i32
      %cond3A_47 = arith.constant 0 : i32
      %cond3A_48 = arith.cmpi ne, %convert_element_type3A_46, %cond3A_47 : i32
      scf.if %cond3A_48 {
        %get3A_49 = arith.constant 0 : index
        %get3A_50 = arith.constant 0 : index
        %get3A_51 = vector.load %arg13[%get3A_49, %get3A_50] : memref<128x128xf32, #tpu.memory_space<vmem>>, vector<128x128xf32>
        %add3A_52 = arith.addf %get3A_51, %dot_general3A_38 : vector<128x128xf32>
        %swap3A_53 = arith.constant 0 : index
        %swap3A_54 = arith.constant 0 : index
        %swap3A_55 = vector.load %arg13[%swap3A_53, %swap3A_54] : memref<128x128xf32, #tpu.memory_space<vmem>>, vector<128x128xf32>
        tpu.vector_store %arg13[%swap3A_53, %swap3A_54], %add3A_52 {strides = array<i32>} : memref<128x128xf32, #tpu.memory_space<vmem>>, vector<128x128xf32>,
        %get3A_56 = arith.constant 0 : index
        %get3A_57 = arith.constant 0 : index
        %get3A_58 = vector.load %arg14[%get3A_56, %get3A_57] : memref<1x128xf32, #tpu.memory_space<vmem>>, vector<1x128xf32>
        %add3A_59 = arith.addf %get3A_58, %broadcast_in_dim3A : vector<1x128xf32>
        %swap3A_60 = arith.constant 0 : index
        %swap3A_61 = arith.constant 0 : index
        %swap3A_62 = vector.load %arg14[%swap3A_60, %swap3A_61] : memref<1x128xf32, #tpu.memory_space<vmem>>, vector<1x128xf32>
        tpu.vector_store %arg14[%swap3A_60, %swap3A_61], %add3A_59 {strides = array<i32>} : memref<1x128xf32, #tpu.memory_space<vmem>>, vector<1x128xf32>,
      } else {
      }
    } else {
    }
    %eq3A_2 = arith.constant 1 : i32
    %eq3A_3 = arith.cmpi eq, %arg0, %eq3A_2 : i32
    %eq3A_4 = arith.constant 0 : i32
    %eq3A_5 = arith.cmpi eq, %arg1, %eq3A_4 : i32
    %and3A = arith.andi %eq3A_3, %eq3A_5 : i1
    %convert_element_type3A_6 = arith.extui %and3A : i1 to i32
    %cond3A_7 = arith.constant 0 : i32
    %cond3A_8 = arith.cmpi ne, %convert_element_type3A_6, %cond3A_7 : i32
    scf.if %cond3A_8 {
      %get3A = arith.constant 0 : index
      %get3A_14 = arith.constant 0 : index
      %get3A_15 = arith.constant 0 : index
      %get3A_16 = vector.load %arg5[%get3A, %get3A_14, %get3A_15] : memref<8x128x128xf32, #tpu.memory_space<vmem>>, vector<8x128x128xf32>
      %get3A_17 = arith.constant 0 : index
      %get3A_18 = arith.constant 0 : index
      %get3A_19 = arith.constant 0 : index
      %get3A_20 = vector.load %arg6[%get3A_17, %get3A_18, %get3A_19] : memref<1x8x128xf32, #tpu.memory_space<vmem>>, vector<1x8x128xf32>
      %broadcast_in_dim3A = arith.constant 0.000000e+00 : f32
      %broadcast_in_dim3A_21 = vector.broadcast %broadcast_in_dim3A : f32 to vector<128x128xf32>
      %broadcast_in_dim3A_22 = arith.constant 0.000000e+00 : f32
      %broadcast_in_dim3A_23 = vector.broadcast %broadcast_in_dim3A_22 : f32 to vector<1x128xf32>
      %slice3A = vector.extract_strided_slice %get3A_16 {offsets = [0, 0, 0], sizes = [1, 128, 128], strides = [1, 1, 1]} : vector<8x128x128xf32> to vector<1x128x128xf32>
      %squeeze3A = vector.shape_cast %slice3A : vector<1x128x128xf32> to vector<128x128xf32>
      %dot_general3A = arith.constant dense<0.000000e+00> : vector<128x128xf32>
      %dot_general3A_24 = tpu.matmul %squeeze3A, %squeeze3A, %dot_general3A {dimension_numbers = #tpu.dot_dimension_numbers<[1], [1], [0], [0], [0, 0, 1, 0], [], []>, transpose_lhs_hint = false} : vector<128x128xf32>, vector<128x128xf32>, vector<128x128xf32> -> vector<128x128xf32>
      %add3A = arith.addf %broadcast_in_dim3A_21, %dot_general3A_24 : vector<128x128xf32>
      %slice3A_25 = vector.extract_strided_slice %get3A_20 {offsets = [0, 0, 0], sizes = [1, 1, 128], strides = [1, 1, 1]} : vector<1x8x128xf32> to vector<1x1x128xf32>
      %squeeze3A_26 = vector.shape_cast %slice3A_25 : vector<1x1x128xf32> to vector<1x128xf32>
      %dot_general3A_27 = arith.constant dense<0.000000e+00> : vector<1x128xf32>
      %dot_general3A_28 = tpu.matmul %squeeze3A_26, %squeeze3A, %dot_general3A_27 {dimension_numbers = #tpu.dot_dimension_numbers<[1], [1], [0], [0], [0, 0, 1, 0], [], []>, transpose_lhs_hint = false} : vector<1x128xf32>, vector<128x128xf32>, vector<1x128xf32> -> vector<1x128xf32>
      %add3A_29 = arith.addf %broadcast_in_dim3A_23, %dot_general3A_28 : vector<1x128xf32>
      %slice3A_30 = vector.extract_strided_slice %get3A_16 {offsets = [1, 0, 0], sizes = [1, 128, 128], strides = [1, 1, 1]} : vector<8x128x128xf32> to vector<1x128x128xf32>
      %squeeze3A_31 = vector.shape_cast %slice3A_30 : vector<1x128x128xf32> to vector<128x128xf32>
      %dot_general3A_32 = arith.constant dense<0.000000e+00> : vector<128x128xf32>
      %dot_general3A_33 = tpu.matmul %squeeze3A_31, %squeeze3A_31, %dot_general3A_32 {dimension_numbers = #tpu.dot_dimension_numbers<[1], [1], [0], [0], [0, 0, 1, 0], [], []>, transpose_lhs_hint = false} : vector<128x128xf32>, vector<128x128xf32>, vector<128x128xf32> -> vector<128x128xf32>
      %add3A_34 = arith.addf %add3A, %dot_general3A_33 : vector<128x128xf32>
      %slice3A_35 = vector.extract_strided_slice %get3A_20 {offsets = [0, 1, 0], sizes = [1, 1, 128], strides = [1, 1, 1]} : vector<1x8x128xf32> to vector<1x1x128xf32>
      %squeeze3A_36 = vector.shape_cast %slice3A_35 : vector<1x1x128xf32> to vector<1x128xf32>
      %dot_general3A_37 = arith.constant dense<0.000000e+00> : vector<1x128xf32>
      %dot_general3A_38 = tpu.matmul %squeeze3A_36, %squeeze3A_31, %dot_general3A_37 {dimension_numbers = #tpu.dot_dimension_numbers<[1], [1], [0], [0], [0, 0, 1, 0], [], []>, transpose_lhs_hint = false} : vector<1x128xf32>, vector<128x128xf32>, vector<1x128xf32> -> vector<1x128xf32>
      %add3A_39 = arith.addf %add3A_29, %dot_general3A_38 : vector<1x128xf32>
      %slice3A_40 = vector.extract_strided_slice %get3A_16 {offsets = [2, 0, 0], sizes = [1, 128, 128], strides = [1, 1, 1]} : vector<8x128x128xf32> to vector<1x128x128xf32>
      %squeeze3A_41 = vector.shape_cast %slice3A_40 : vector<1x128x128xf32> to vector<128x128xf32>
      %dot_general3A_42 = arith.constant dense<0.000000e+00> : vector<128x128xf32>
      %dot_general3A_43 = tpu.matmul %squeeze3A_41, %squeeze3A_41, %dot_general3A_42 {dimension_numbers = #tpu.dot_dimension_numbers<[1], [1], [0], [0], [0, 0, 1, 0], [], []>, transpose_lhs_hint = false} : vector<128x128xf32>, vector<128x128xf32>, vector<128x128xf32> -> vector<128x128xf32>
      %add3A_44 = arith.addf %add3A_34, %dot_general3A_43 : vector<128x128xf32>
      %slice3A_45 = vector.extract_strided_slice %get3A_20 {offsets = [0, 2, 0], sizes = [1, 1, 128], strides = [1, 1, 1]} : vector<1x8x128xf32> to vector<1x1x128xf32>
      %squeeze3A_46 = vector.shape_cast %slice3A_45 : vector<1x1x128xf32> to vector<1x128xf32>
      %dot_general3A_47 = arith.constant dense<0.000000e+00> : vector<1x128xf32>
      %dot_general3A_48 = tpu.matmul %squeeze3A_46, %squeeze3A_41, %dot_general3A_47 {dimension_numbers = #tpu.dot_dimension_numbers<[1], [1], [0], [0], [0, 0, 1, 0], [], []>, transpose_lhs_hint = false} : vector<1x128xf32>, vector<128x128xf32>, vector<1x128xf32> -> vector<1x128xf32>
      %add3A_49 = arith.addf %add3A_39, %dot_general3A_48 : vector<1x128xf32>
      %slice3A_50 = vector.extract_strided_slice %get3A_16 {offsets = [3, 0, 0], sizes = [1, 128, 128], strides = [1, 1, 1]} : vector<8x128x128xf32> to vector<1x128x128xf32>
      %squeeze3A_51 = vector.shape_cast %slice3A_50 : vector<1x128x128xf32> to vector<128x128xf32>
      %dot_general3A_52 = arith.constant dense<0.000000e+00> : vector<128x128xf32>
      %dot_general3A_53 = tpu.matmul %squeeze3A_51, %squeeze3A_51, %dot_general3A_52 {dimension_numbers = #tpu.dot_dimension_numbers<[1], [1], [0], [0], [0, 0, 1, 0], [], []>, transpose_lhs_hint = false} : vector<128x128xf32>, vector<128x128xf32>, vector<128x128xf32> -> vector<128x128xf32>
      %add3A_54 = arith.addf %add3A_44, %dot_general3A_53 : vector<128x128xf32>
      %slice3A_55 = vector.extract_strided_slice %get3A_20 {offsets = [0, 3, 0], sizes = [1, 1, 128], strides = [1, 1, 1]} : vector<1x8x128xf32> to vector<1x1x128xf32>
      %squeeze3A_56 = vector.shape_cast %slice3A_55 : vector<1x1x128xf32> to vector<1x128xf32>
      %dot_general3A_57 = arith.constant dense<0.000000e+00> : vector<1x128xf32>
      %dot_general3A_58 = tpu.matmul %squeeze3A_56, %squeeze3A_51, %dot_general3A_57 {dimension_numbers = #tpu.dot_dimension_numbers<[1], [1], [0], [0], [0, 0, 1, 0], [], []>, transpose_lhs_hint = false} : vector<1x128xf32>, vector<128x128xf32>, vector<1x128xf32> -> vector<1x128xf32>
      %add3A_59 = arith.addf %add3A_49, %dot_general3A_58 : vector<1x128xf32>
      %slice3A_60 = vector.extract_strided_slice %get3A_16 {offsets = [4, 0, 0], sizes = [1, 128, 128], strides = [1, 1, 1]} : vector<8x128x128xf32> to vector<1x128x128xf32>
      %squeeze3A_61 = vector.shape_cast %slice3A_60 : vector<1x128x128xf32> to vector<128x128xf32>
      %dot_general3A_62 = arith.constant dense<0.000000e+00> : vector<128x128xf32>
      %dot_general3A_63 = tpu.matmul %squeeze3A_61, %squeeze3A_61, %dot_general3A_62 {dimension_numbers = #tpu.dot_dimension_numbers<[1], [1], [0], [0], [0, 0, 1, 0], [], []>, transpose_lhs_hint = false} : vector<128x128xf32>, vector<128x128xf32>, vector<128x128xf32> -> vector<128x128xf32>
      %add3A_64 = arith.addf %add3A_54, %dot_general3A_63 : vector<128x128xf32>
      %slice3A_65 = vector.extract_strided_slice %get3A_20 {offsets = [0, 4, 0], sizes = [1, 1, 128], strides = [1, 1, 1]} : vector<1x8x128xf32> to vector<1x1x128xf32>
      %squeeze3A_66 = vector.shape_cast %slice3A_65 : vector<1x1x128xf32> to vector<1x128xf32>
      %dot_general3A_67 = arith.constant dense<0.000000e+00> : vector<1x128xf32>
      %dot_general3A_68 = tpu.matmul %squeeze3A_66, %squeeze3A_61, %dot_general3A_67 {dimension_numbers = #tpu.dot_dimension_numbers<[1], [1], [0], [0], [0, 0, 1, 0], [], []>, transpose_lhs_hint = false} : vector<1x128xf32>, vector<128x128xf32>, vector<1x128xf32> -> vector<1x128xf32>
      %add3A_69 = arith.addf %add3A_59, %dot_general3A_68 : vector<1x128xf32>
      %slice3A_70 = vector.extract_strided_slice %get3A_16 {offsets = [5, 0, 0], sizes = [1, 128, 128], strides = [1, 1, 1]} : vector<8x128x128xf32> to vector<1x128x128xf32>
      %squeeze3A_71 = vector.shape_cast %slice3A_70 : vector<1x128x128xf32> to vector<128x128xf32>
      %dot_general3A_72 = arith.constant dense<0.000000e+00> : vector<128x128xf32>
      %dot_general3A_73 = tpu.matmul %squeeze3A_71, %squeeze3A_71, %dot_general3A_72 {dimension_numbers = #tpu.dot_dimension_numbers<[1], [1], [0], [0], [0, 0, 1, 0], [], []>, transpose_lhs_hint = false} : vector<128x128xf32>, vector<128x128xf32>, vector<128x128xf32> -> vector<128x128xf32>
      %add3A_74 = arith.addf %add3A_64, %dot_general3A_73 : vector<128x128xf32>
      %slice3A_75 = vector.extract_strided_slice %get3A_20 {offsets = [0, 5, 0], sizes = [1, 1, 128], strides = [1, 1, 1]} : vector<1x8x128xf32> to vector<1x1x128xf32>
      %squeeze3A_76 = vector.shape_cast %slice3A_75 : vector<1x1x128xf32> to vector<1x128xf32>
      %dot_general3A_77 = arith.constant dense<0.000000e+00> : vector<1x128xf32>
      %dot_general3A_78 = tpu.matmul %squeeze3A_76, %squeeze3A_71, %dot_general3A_77 {dimension_numbers = #tpu.dot_dimension_numbers<[1], [1], [0], [0], [0, 0, 1, 0], [], []>, transpose_lhs_hint = false} : vector<1x128xf32>, vector<128x128xf32>, vector<1x128xf32> -> vector<1x128xf32>
      %add3A_79 = arith.addf %add3A_69, %dot_general3A_78 : vector<1x128xf32>
      %slice3A_80 = vector.extract_strided_slice %get3A_16 {offsets = [6, 0, 0], sizes = [1, 128, 128], strides = [1, 1, 1]} : vector<8x128x128xf32> to vector<1x128x128xf32>
      %squeeze3A_81 = vector.shape_cast %slice3A_80 : vector<1x128x128xf32> to vector<128x128xf32>
      %dot_general3A_82 = arith.constant dense<0.000000e+00> : vector<128x128xf32>
      %dot_general3A_83 = tpu.matmul %squeeze3A_81, %squeeze3A_81, %dot_general3A_82 {dimension_numbers = #tpu.dot_dimension_numbers<[1], [1], [0], [0], [0, 0, 1, 0], [], []>, transpose_lhs_hint = false} : vector<128x128xf32>, vector<128x128xf32>, vector<128x128xf32> -> vector<128x128xf32>
      %add3A_84 = arith.addf %add3A_74, %dot_general3A_83 : vector<128x128xf32>
      %slice3A_85 = vector.extract_strided_slice %get3A_20 {offsets = [0, 6, 0], sizes = [1, 1, 128], strides = [1, 1, 1]} : vector<1x8x128xf32> to vector<1x1x128xf32>
      %squeeze3A_86 = vector.shape_cast %slice3A_85 : vector<1x1x128xf32> to vector<1x128xf32>
      %dot_general3A_87 = arith.constant dense<0.000000e+00> : vector<1x128xf32>
      %dot_general3A_88 = tpu.matmul %squeeze3A_86, %squeeze3A_81, %dot_general3A_87 {dimension_numbers = #tpu.dot_dimension_numbers<[1], [1], [0], [0], [0, 0, 1, 0], [], []>, transpose_lhs_hint = false} : vector<1x128xf32>, vector<128x128xf32>, vector<1x128xf32> -> vector<1x128xf32>
      %add3A_89 = arith.addf %add3A_79, %dot_general3A_88 : vector<1x128xf32>
      %slice3A_90 = vector.extract_strided_slice %get3A_16 {offsets = [7, 0, 0], sizes = [1, 128, 128], strides = [1, 1, 1]} : vector<8x128x128xf32> to vector<1x128x128xf32>
      %squeeze3A_91 = vector.shape_cast %slice3A_90 : vector<1x128x128xf32> to vector<128x128xf32>
      %dot_general3A_92 = arith.constant dense<0.000000e+00> : vector<128x128xf32>
      %dot_general3A_93 = tpu.matmul %squeeze3A_91, %squeeze3A_91, %dot_general3A_92 {dimension_numbers = #tpu.dot_dimension_numbers<[1], [1], [0], [0], [0, 0, 1, 0], [], []>, transpose_lhs_hint = false} : vector<128x128xf32>, vector<128x128xf32>, vector<128x128xf32> -> vector<128x128xf32>
      %add3A_94 = arith.addf %add3A_84, %dot_general3A_93 : vector<128x128xf32>
      %slice3A_95 = vector.extract_strided_slice %get3A_20 {offsets = [0, 7, 0], sizes = [1, 1, 128], strides = [1, 1, 1]} : vector<1x8x128xf32> to vector<1x1x128xf32>
      %squeeze3A_96 = vector.shape_cast %slice3A_95 : vector<1x1x128xf32> to vector<1x128xf32>
      %dot_general3A_97 = arith.constant dense<0.000000e+00> : vector<1x128xf32>
      %dot_general3A_98 = tpu.matmul %squeeze3A_96, %squeeze3A_91, %dot_general3A_97 {dimension_numbers = #tpu.dot_dimension_numbers<[1], [1], [0], [0], [0, 0, 1, 0], [], []>, transpose_lhs_hint = false} : vector<1x128xf32>, vector<128x128xf32>, vector<1x128xf32> -> vector<1x128xf32>
      %add3A_99 = arith.addf %add3A_89, %dot_general3A_98 : vector<1x128xf32>
      %get3A_100 = arith.constant 0 : index
      %get3A_101 = arith.constant 0 : index
      %get3A_102 = vector.load %arg14[%get3A_100, %get3A_101] : memref<1x128xf32, #tpu.memory_space<vmem>>, vector<1x128xf32>
      %reduce_sum3A = arith.constant dense<0.000000e+00> : vector<128x128xf32>
      %reduce_sum3A_103 = vector.multi_reduction <add>, %get3A_16, %reduce_sum3A [0] : vector<8x128x128xf32> to vector<128x128xf32>
      %reduce_sum3A_104 = arith.constant dense<0.000000e+00> : vector<128xf32>
      %reduce_sum3A_105 = vector.multi_reduction <add>, %reduce_sum3A_103, %reduce_sum3A_104 [1] : vector<128x128xf32> to vector<128xf32>
      %broadcast_in_dim3A_106 = vector.shape_cast %reduce_sum3A_105 : vector<128xf32> to vector<1x128xf32>
      %reduce_sum3A_107 = vector.shape_cast %get3A_20 : vector<1x8x128xf32> to vector<1x1x8x128xf32>
      %reduce_sum3A_108 = arith.constant dense<0.000000e+00> : vector<1xf32>
      %reduce_sum3A_109 = vector.multi_reduction <add>, %reduce_sum3A_107, %reduce_sum3A_108 [1, 2, 3] : vector<1x1x8x128xf32> to vector<1xf32>
      %reduce_sum3A_110 = vector.shape_cast %reduce_sum3A_109 : vector<1xf32> to vector<1x1x1x1xf32>
      %reduce_sum3A_111 = vector.extract %reduce_sum3A_110[0, 0, 0, 0] : f32 from vector<1x1x1x1xf32>
      %mul3A = arith.mulf %get3A_20, %get3A_20 : vector<1x8x128xf32>
      %reduce_sum3A_112 = vector.shape_cast %mul3A : vector<1x8x128xf32> to vector<1x1x8x128xf32>
      %reduce_sum3A_113 = arith.constant dense<0.000000e+00> : vector<1xf32>
      %reduce_sum3A_114 = vector.multi_reduction <add>, %reduce_sum3A_112, %reduce_sum3A_113 [1, 2, 3] : vector<1x1x8x128xf32> to vector<1xf32>
      %reduce_sum3A_115 = vector.shape_cast %reduce_sum3A_114 : vector<1xf32> to vector<1x1x1x1xf32>
      %reduce_sum3A_116 = vector.extract %reduce_sum3A_115[0, 0, 0, 0] : f32 from vector<1x1x1x1xf32>
      %mul3A_117 = arith.mulf %get3A_102, %broadcast_in_dim3A_106 : vector<1x128xf32>
      %reduce_sum3A_118 = vector.shape_cast %mul3A_117 : vector<1x128xf32> to vector<1x1x128xf32>
      %reduce_sum3A_119 = arith.constant dense<0.000000e+00> : vector<1xf32>
      %reduce_sum3A_120 = vector.multi_reduction <add>, %reduce_sum3A_118, %reduce_sum3A_119 [1, 2] : vector<1x1x128xf32> to vector<1xf32>
      %reduce_sum3A_121 = vector.shape_cast %reduce_sum3A_120 : vector<1xf32> to vector<1x1x1xf32>
      %reduce_sum3A_122 = vector.extract %reduce_sum3A_121[0, 0, 0] : f32 from vector<1x1x1xf32>
      %mul3A_123 = arith.constant 1.000000e+04 : f32
      %mul3A_124 = arith.mulf %mul3A_123, %reduce_sum3A_111 : f32
      %add3A_125 = arith.addf %reduce_sum3A_122, %mul3A_124 : f32
      %mul3A_126 = arith.constant 0.999994993 : f32
      %mul3A_127 = arith.mulf %mul3A_126, %add3A_125 : f32
      %get3A_128 = arith.constant 0 : index
      %get3A_129 = arith.constant 0 : index
      %get3A_130 = vector.load %arg13[%get3A_128, %get3A_129] : memref<128x128xf32, #tpu.memory_space<vmem>>, vector<128x128xf32>
      %mul3A_131 = arith.mulf %get3A_130, %add3A_94 : vector<128x128xf32>
      %reduce_sum3A_132 = vector.shape_cast %mul3A_131 : vector<128x128xf32> to vector<1x128x128xf32>
      %reduce_sum3A_133 = arith.constant dense<0.000000e+00> : vector<1xf32>
      %reduce_sum3A_134 = vector.multi_reduction <add>, %reduce_sum3A_132, %reduce_sum3A_133 [1, 2] : vector<1x128x128xf32> to vector<1xf32>
      %reduce_sum3A_135 = vector.shape_cast %reduce_sum3A_134 : vector<1xf32> to vector<1x1x1xf32>
      %reduce_sum3A_136 = vector.extract %reduce_sum3A_135[0, 0, 0] : f32 from vector<1x1x1xf32>
      %mul3A_137 = arith.mulf %get3A_102, %add3A_99 : vector<1x128xf32>
      %reduce_sum3A_138 = vector.shape_cast %mul3A_137 : vector<1x128xf32> to vector<1x1x128xf32>
      %reduce_sum3A_139 = arith.constant dense<0.000000e+00> : vector<1xf32>
      %reduce_sum3A_140 = vector.multi_reduction <add>, %reduce_sum3A_138, %reduce_sum3A_139 [1, 2] : vector<1x1x128xf32> to vector<1xf32>
      %reduce_sum3A_141 = vector.shape_cast %reduce_sum3A_140 : vector<1xf32> to vector<1x1x1xf32>
      %reduce_sum3A_142 = vector.extract %reduce_sum3A_141[0, 0, 0] : f32 from vector<1x1x1xf32>
      %mul3A_143 = arith.constant 2.000000e+00 : f32
      %mul3A_144 = arith.mulf %mul3A_143, %reduce_sum3A_142 : f32
      %add3A_145 = arith.addf %reduce_sum3A_136, %mul3A_144 : f32
      %mul3A_146 = arith.constant 1.000000e+04 : f32
      %mul3A_147 = arith.mulf %mul3A_146, %reduce_sum3A_116 : f32
      %add3A_148 = arith.addf %add3A_145, %mul3A_147 : f32
      %mul3A_149 = arith.constant 0.999989986 : f32
      %mul3A_150 = arith.mulf %mul3A_149, %add3A_148 : f32
      %div3A = arith.constant 1.024000e+07 : f32
      %div3A_151 = arith.divf %mul3A_127, %div3A : f32
      %mul3A_152 = arith.constant 1.024000e+07 : f32
      %mul3A_153 = arith.mulf %mul3A_152, %div3A_151 : f32
      %mul3A_154 = arith.mulf %mul3A_153, %div3A_151 : f32
      %sub3A = arith.subf %mul3A_150, %mul3A_154 : f32
      %max3A = arith.constant 0.000000e+00 : f32
      %max3A_155 = arith.maximumf %sub3A, %max3A : f32
      %div3A_156 = arith.constant 0x4B1C3FFF : f32
      %div3A_157 = arith.divf %max3A_155, %div3A_156 : f32
      %sqrt3A = math.sqrt %div3A_157 : f32
      %add3A_158 = arith.constant 9.99999993E-9 : f32
      %add3A_159 = arith.addf %sqrt3A, %add3A_158 : f32
      %div3A_160 = arith.constant 1.000000e+00 : f32
      %div3A_161 = arith.divf %div3A_160, %add3A_159 : f32
      %reduce_sum3A_162 = arith.constant dense<0.000000e+00> : vector<128x128xf32>
      %reduce_sum3A_163 = vector.multi_reduction <add>, %get3A_16, %reduce_sum3A_162 [0] : vector<8x128x128xf32> to vector<128x128xf32>
      %mul3A_164 = arith.constant 1.250000e-01 : f32
      %mul3A_165 = vector.broadcast %mul3A_164 : f32 to vector<128x128xf32>
      %mul3A_166 = arith.mulf %reduce_sum3A_163, %mul3A_165 : vector<128x128xf32>
      %squeeze3A_167 = vector.shape_cast %get3A_20 : vector<1x8x128xf32> to vector<8x128xf32>
      %reduce_sum3A_168 = arith.constant dense<0.000000e+00> : vector<128xf32>
      %reduce_sum3A_169 = vector.multi_reduction <add>, %squeeze3A_167, %reduce_sum3A_168 [0] : vector<8x128xf32> to vector<128xf32>
      %broadcast_in_dim3A_170 = vector.shape_cast %reduce_sum3A_169 : vector<128xf32> to vector<1x128xf32>
      %mul3A_171 = arith.constant 1.250000e-01 : f32
      %mul3A_172 = vector.broadcast %mul3A_171 : f32 to vector<1x128xf32>
      %mul3A_173 = arith.mulf %broadcast_in_dim3A_170, %mul3A_172 : vector<1x128xf32>
      %mul3A_174 = arith.constant 0.999994993 : f32
      %mul3A_175 = arith.mulf %mul3A_174, %div3A_161 : f32
      %mul3A_176 = vector.broadcast %mul3A_175 : f32 to vector<128x128xf32>
      %mul3A_177 = arith.mulf %mul3A_176, %mul3A_166 : vector<128x128xf32>
      %swap3A = arith.constant 0 : index
      %swap3A_178 = arith.constant 0 : index
      %swap3A_179 = vector.load %arg15[%swap3A, %swap3A_178] : memref<128x128xf32, #tpu.memory_space<vmem>>, vector<128x128xf32>
      tpu.vector_store %arg15[%swap3A, %swap3A_178], %mul3A_177 {strides = array<i32>} : memref<128x128xf32, #tpu.memory_space<vmem>>, vector<128x128xf32>,
      %mul3A_180 = arith.constant 0.999994993 : f32
      %mul3A_181 = vector.broadcast %mul3A_180 : f32 to vector<1x128xf32>
      %mul3A_182 = arith.mulf %mul3A_181, %mul3A_173 : vector<1x128xf32>
      %sub3A_183 = vector.broadcast %div3A_151 : f32 to vector<1x128xf32>
      %sub3A_184 = arith.subf %mul3A_182, %sub3A_183 : vector<1x128xf32>
      %mul3A_185 = vector.broadcast %div3A_161 : f32 to vector<1x128xf32>
      %mul3A_186 = arith.mulf %sub3A_184, %mul3A_185 : vector<1x128xf32>
      %swap3A_187 = arith.constant 0 : index
      %swap3A_188 = arith.constant 0 : index
      %swap3A_189 = vector.load %arg16[%swap3A_187, %swap3A_188] : memref<1x128xf32, #tpu.memory_space<vmem>>, vector<1x128xf32>
      tpu.vector_store %arg16[%swap3A_187, %swap3A_188], %mul3A_186 {strides = array<i32>} : memref<1x128xf32, #tpu.memory_space<vmem>>, vector<1x128xf32>,
    } else {
    }
    %eq3A_9 = arith.constant 1 : i32
    %eq3A_10 = arith.cmpi eq, %arg0, %eq3A_9 : i32
    %convert_element_type3A_11 = arith.extui %eq3A_10 : i1 to i32
    %cond3A_12 = arith.constant 0 : i32
    %cond3A_13 = arith.cmpi ne, %convert_element_type3A_11, %cond3A_12 : i32
    scf.if %cond3A_13 {
      %mul3A = arith.constant 2000 : i32
      %mul3A_14 = arith.muli %arg1, %mul3A : i32
      %get3A = arith.index_cast %mul3A_14 : i32 to index
      %get3A_15 = arith.constant 0 : index
      %get3A_16 = vector.load %arg12[%get3A, %get3A_15] : memref<10000x128xf32, #tpu.memory_space<vmem>>, vector<2000x128xf32>
      %get3A_17 = arith.constant 0 : index
      %get3A_18 = arith.constant 0 : index
      %get3A_19 = vector.load %arg15[%get3A_17, %get3A_18] : memref<128x128xf32, #tpu.memory_space<vmem>>, vector<128x128xf32>
      %dot_general3A = arith.constant dense<0.000000e+00> : vector<2000x128xf32>
      %dot_general3A_20 = tpu.matmul %get3A_16, %get3A_19, %dot_general3A {dimension_numbers = #tpu.dot_dimension_numbers<[1], [0], [0], [1], [0, 0, 1, 1], [], []>, transpose_lhs_hint = false} : vector<2000x128xf32>, vector<128x128xf32>, vector<2000x128xf32> -> vector<2000x128xf32>
      %get3A_21 = arith.constant 0 : index
      %get3A_22 = arith.constant 0 : index
      %get3A_23 = vector.load %arg4[%get3A_21, %get3A_22] : memref<2000x128xf32, #tpu.memory_space<vmem>>, vector<2000x128xf32>
      %add3A = arith.addf %get3A_23, %dot_general3A_20 : vector<2000x128xf32>
      %get3A_24 = arith.constant 0 : index
      %get3A_25 = arith.constant 0 : index
      %get3A_26 = vector.load %arg16[%get3A_24, %get3A_25] : memref<1x128xf32, #tpu.memory_space<vmem>>, vector<1x128xf32>
      %add3A_27 = vector.broadcast %get3A_26 : vector<1x128xf32> to vector<2000x128xf32>
      %add3A_28 = arith.addf %add3A, %add3A_27 : vector<2000x128xf32>
      %mul3A_29 = arith.constant 0.999994993 : f32
      %mul3A_30 = vector.broadcast %mul3A_29 : f32 to vector<2000x128xf32>
      %mul3A_31 = arith.mulf %add3A_28, %mul3A_30 : vector<2000x128xf32>
      %get3A_32 = arith.constant 0 : index
      %get3A_33 = arith.constant 0 : index
      %get3A_34 = vector.load %arg7[%get3A_32, %get3A_33] : memref<128x256xf32, #tpu.memory_space<vmem>>, vector<128x256xf32>
      %dot_general3A_35 = arith.constant dense<0.000000e+00> : vector<2000x256xf32>
      %dot_general3A_36 = tpu.matmul %mul3A_31, %get3A_34, %dot_general3A_35 {dimension_numbers = #tpu.dot_dimension_numbers<[1], [0], [0], [1], [0, 0, 1, 1], [], []>, transpose_lhs_hint = false} : vector<2000x128xf32>, vector<128x256xf32>, vector<2000x256xf32> -> vector<2000x256xf32>
      %get3A_37 = arith.constant 0 : index
      %get3A_38 = arith.constant 0 : index
      %get3A_39 = vector.load %arg8[%get3A_37, %get3A_38] : memref<1x256xf32, #tpu.memory_space<vmem>>, vector<1x256xf32>
      %add3A_40 = vector.broadcast %get3A_39 : vector<1x256xf32> to vector<2000x256xf32>
      %add3A_41 = arith.addf %dot_general3A_36, %add3A_40 : vector<2000x256xf32>
      %max3A = arith.constant 0.000000e+00 : f32
      %max3A_42 = vector.broadcast %max3A : f32 to vector<2000x256xf32>
      %max3A_43 = arith.maximumf %add3A_41, %max3A_42 : vector<2000x256xf32>
      %get3A_44 = arith.constant 0 : index
      %get3A_45 = arith.constant 0 : index
      %get3A_46 = vector.load %arg9[%get3A_44, %get3A_45] : memref<256x128xf32, #tpu.memory_space<vmem>>, vector<256x128xf32>
      %dot_general3A_47 = arith.constant dense<0.000000e+00> : vector<2000x128xf32>
      %dot_general3A_48 = tpu.matmul %max3A_43, %get3A_46, %dot_general3A_47 {dimension_numbers = #tpu.dot_dimension_numbers<[1], [0], [0], [1], [0, 0, 1, 1], [], []>, transpose_lhs_hint = false} : vector<2000x256xf32>, vector<256x128xf32>, vector<2000x128xf32> -> vector<2000x128xf32>
      %get3A_49 = arith.constant 0 : index
      %get3A_50 = arith.constant 0 : index
      %get3A_51 = vector.load %arg10[%get3A_49, %get3A_50] : memref<1x128xf32, #tpu.memory_space<vmem>>, vector<1x128xf32>
      %add3A_52 = vector.broadcast %get3A_51 : vector<1x128xf32> to vector<2000x128xf32>
      %add3A_53 = arith.addf %dot_general3A_48, %add3A_52 : vector<2000x128xf32>
      %add3A_54 = arith.addf %mul3A_31, %add3A_53 : vector<2000x128xf32>
      %mul3A_55 = arith.constant 0.999994993 : f32
      %mul3A_56 = vector.broadcast %mul3A_55 : f32 to vector<2000x128xf32>
      %mul3A_57 = arith.mulf %add3A_54, %mul3A_56 : vector<2000x128xf32>
      %swap3A = arith.constant 0 : index
      %swap3A_58 = arith.constant 0 : index
      %swap3A_59 = vector.load %arg11[%swap3A, %swap3A_58] : memref<2000x128xf32, #tpu.memory_space<vmem>>, vector<2000x128xf32>
      tpu.vector_store %arg11[%swap3A, %swap3A_58], %mul3A_57 {strides = array<i32>} : memref<2000x128xf32, #tpu.memory_space<vmem>>, vector<2000x128xf32>,
    } else {
    }
    return
  }
  func.func @transform_0(%arg0: i32, %arg1: i32) -> (i32, i32, i32) {
    %c0_i32 = arith.constant 0 : i32
    %c0_i32_0 = arith.constant 0 : i32
    %c0_i32_1 = arith.constant 0 : i32
    return %c0_i32, %arg1, %c0_i32_0 : i32, i32, i32
  }
  func.func @transform_1(%arg0: i32, %arg1: i32) -> (i32, i32) {
    %c0_i32 = arith.constant 0 : i32
    %c0_i32_0 = arith.constant 0 : i32
    return %arg1, %c0_i32 : i32, i32
  }
  func.func @transform_2(%arg0: i32, %arg1: i32) -> (i32, i32) {
    %c0_i32 = arith.constant 0 : i32
    %c0_i32_0 = arith.constant 0 : i32
    return %arg1, %c0_i32 : i32, i32
  }
  func.func @transform_3(%arg0: i32, %arg1: i32) -> (i32, i32, i32) {
    %c0_i32 = arith.constant 0 : i32
    %c0_i32_0 = arith.constant 0 : i32
    %c0_i32_1 = arith.constant 0 : i32
    %c0_i32_2 = arith.constant 0 : i32
    return %c0_i32, %c0_i32_0, %c0_i32_1 : i32, i32, i32
  }
  func.func @transform_4(%arg0: i32, %arg1: i32) -> (i32, i32, i32) {
    %c0_i32 = arith.constant 0 : i32
    %c0_i32_0 = arith.constant 0 : i32
    %c0_i32_1 = arith.constant 0 : i32
    %c0_i32_2 = arith.constant 0 : i32
    return %c0_i32, %c0_i32_0, %c0_i32_1 : i32, i32, i32
  }
  func.func @transform_5(%arg0: i32, %arg1: i32) -> (i32, i32) {
    %c0_i32 = arith.constant 0 : i32
    %c0_i32_0 = arith.constant 0 : i32
    %c0_i32_1 = arith.constant 0 : i32
    return %c0_i32, %c0_i32_0 : i32, i32
  }
  func.func @transform_6(%arg0: i32, %arg1: i32) -> (i32, i32) {
    %c0_i32 = arith.constant 0 : i32
    %c0_i32_0 = arith.constant 0 : i32
    %c0_i32_1 = arith.constant 0 : i32
    return %c0_i32, %c0_i32_0 : i32, i32
  }
  func.func @transform_7(%arg0: i32, %arg1: i32) -> (i32, i32) {
    %c0_i32 = arith.constant 0 : i32
    %c0_i32_0 = arith.constant 0 : i32
    %c0_i32_1 = arith.constant 0 : i32
    return %c0_i32, %c0_i32_0 : i32, i32
  }
  func.func @transform_8(%arg0: i32, %arg1: i32) -> (i32, i32) {
    %c0_i32 = arith.constant 0 : i32
    %c0_i32_0 = arith.constant 0 : i32
    %c0_i32_1 = arith.constant 0 : i32
    return %c0_i32, %c0_i32_0 : i32, i32
  }
  func.func @transform_9(%arg0: i32, %arg1: i32) -> (i32, i32) {
    %c0_i32 = arith.constant 0 : i32
    %c0_i32_0 = arith.constant 0 : i32
    return %arg1, %c0_i32 : i32, i32
  }
}

</mosaic_0001>

<sc_bundles>
// kernel: kernel.6.cloned.1.call-start
scs
__scs_entry_jumppad:
0x0: {  	(pc) =	sbr.rel $0x88, $3  }
0x1: {  	(tag) =	ssettag $0x0;
	lr =	simm.s32 $0x1  }
0x2: {  	[smem:$0x3F99] =	sst lr;
	_ =	strace $0xD0000000  }
0x3: {  	_ = 	snop  }
0x4: {  	_ = 	snop  }
0x5: {  	_ = 	snop  }
0x6: {  	_ = 	snop  }
0x7: {  	_ = 	snop  }
__scs_overlays_trampoline_lowered:
0x8: {  	[smem:$0x3FA8] =	sst s0  }
0x9: {  	[smem:$0x3FA9] =	sst s1  }
0xa: {  	[smem:$0x3FAA] =	sst s2  }
0xb: {  	[smem:$0x3FAB] =	sst s3  }
0xc: {  	[smem:$0x3FAC] =	sst s4  }
0xd: {  	[smem:$0x3FAD] =	sst s5  }
0xe: {  	[smem:$0x3FAE] =	sst s6  }
0xf: {  	[smem:$0x3FAF] =	sst s7  }
0x10: {  	[smem:$0x3FB0] =	sst s8  }
0x11: {  	[smem:$0x3FB1] =	sst s9;
	s0 =	simm.s32 @!p0 $0x0  }
0x12: {  	s1 =	sld [smem:$0x3F97];
	s0 =	simm.s32 @p0 $0x1  }
0x13: {  	[smem:$0x3FB2] =	sst s0;
	s0 =	simm.s32 @!p1 $0x0  }
0x14: {  	s2 =	sld [smem:$0x3F96];
	s0 =	simm.s32 @p1 $0x1  }
0x15: {  	[smem:$0x3FB3] =	sst s0;
	s0 =	simm.s32 @!p2 $0x0  }
0x16: {  	s3 =	sld [smem:$0x3FDB];
	s0 =	simm.s32 @p2 $0x1  }
0x17: {  	s4 =	simm.s32 $0x1BF5;
	[smem:$0x3FB5] =	sst s0  }
0x18: {  	s0 =	sld [smem:$0x3F98];
	_ =	swait.ge [sflag:s4], $0x0  }
0x19: {  	s7 =	sld [smem:$0x3F99]  }
0x1a: {  	s8 =	sadd.s32 $0xFFFFE003, lr  }
0x1b: {  	s9 =	sadd.s32 $0xFFFFFEF7, lr;
	s5 =	simm.s32 $0xFFFFFFFF;
	p2 =	slt.u32 s8, $0xFFFFF086  }
0x1c: {  	p1 =	slt.u32 s9, $0xF7A;
	s5 =	simm.s32 @!p2 $0x0  }
0x1d: {  	s5 =	simm.s32 @p1 $0x1;
	p0 =	seq.s32 s7, s2  }
0x1e: {  	s7 =	smul.u32 @!p0 $0xF7A, s2;
	p2 =	seq.s32 @!p0 s5, $0x0  }
0x1f: {  	s9 =	smul.u32 $0xF7A, s1;
	s8 =	simm.s32 @!p0 $0x1BF5;
	p2 =	por !p2, p0  }
0x20: {  	[sflag:s8] =	ssyncset.s32 @!p0 $0xFFFFF086;
	s6 =	sadd.s32 @!p0 s3, s7;
	s7 =	simm.s32 @!p0 $0x108  }
0x21: {  	s3 =	sadd.s32 s3, s9;
	s6 =	sadd.s32 @!p0 $0x88, s6;
	s7 =	simm.s32 @p2 $0x1082  }
0x22: {  	[simem:s7], [sflag:s8] =	dma.local @!p0 [hbm:s6], $0xF7A  }
0x23: {  	s9 =	sor.u32 $0xD0000000, s2;
	s6 =	simm.s32 $0x108;
	_ =	swait.ge @!p0 [sflag:s8], $0x0  }
0x24: {  	s3 =	sadd.s32 $0x88, s3;
	s6 =	simm.s32 @!p1 $0x1082;
	[sflag:s4] =	ssyncset.s32 $0xFFFFF086  }
0x25: {  	[simem:s6], [sflag:s4] =	dma.local [hbm:s3], $0xF7A  }
0x26: {  	[smem:$0x3F99] =	sst s1;
	(tag) =	ssettag s2;
	_ =	strace s9  }
0x27: {  	s1 =	sld [smem:$0x3FA9]  }
0x28: {  	s2 =	sld [smem:$0x3FAA]  }
0x29: {  	s4 =	sld [smem:$0x3FAC]  }
0x2a: {  	p0 =	seq.s32 s5, $0x0;
	s5 =	sld [smem:$0x3FAD]  }
0x2b: {  	s6 =	sld [smem:$0x3FAE]  }
0x2c: {  	s7 =	sld [smem:$0x3FAF]  }
0x2d: {  	s3 =	simm.s32 $0x108;
	s8 =	sld [smem:$0x3FB0]  }
0x2e: {  	s3 =	simm.s32 @!p0 $0x1082;
	s9 =	sld [smem:$0x3FB1]  }
0x2f: {  	lr =	sadd.s32 s0, s3;
	s0 =	sld [smem:$0x3FA8]  }
0x30: {  	s3 =	sld [smem:$0x3FAB]  }
0x31: {  	[smem:$0x3FB4] =	sst s10  }
0x32: {  	s10 =	sld [smem:$0x3FB2];
	_ =	sdelay $0x3  }
0x33: {  	p0 =	seq.s32 s10, $0x1;
	s10 =	sld [smem:$0x3FB4];
	_ =	sdelay $0x3  }
0x34: {  	[smem:$0x3FB4] =	sst s10  }
0x35: {  	s10 =	sld [smem:$0x3FB3];
	_ =	sdelay $0x3  }
0x36: {  	p1 =	seq.s32 s10, $0x1;
	s10 =	sld [smem:$0x3FB4];
	_ =	sdelay $0x3  }
0x37: {  	[smem:$0x3FB4] =	sst s10  }
0x38: {  	s10 =	sld [smem:$0x3FB5]  }
0x39: {  	_ = 	snop;
	(pc) =	sbr.ind lr, $3  }
0x3a: {  	_ = 	snop  }
0x3b: {  	_ = 	snop  }
0x3c: {  	p2 =	seq.s32 s10, $0x1;
	s10 =	sld [smem:$0x3FB4]  }
0x3d: {  	_ =	shalt  }
0x3e: {  	_ =	shalt  }
0x3f: {  	_ =	shalt  }
0x40: {  	_ =	shalt  }
0x41: {  	_ =	shalt  }
0x42: {  	_ =	shalt  }
0x43: {  	_ =	shalt  }
0x44: {  	_ =	shalt  }
0x45: {  	_ =	shalt  }
0x46: {  	_ =	shalt  }
0x47: {  	_ =	shalt  }
0x48: {  	_ =	shalt  }
0x49: {  	_ =	shalt  }
0x4a: {  	_ =	shalt  }
0x4b: {  	_ =	shalt  }
0x4c: {  	_ =	shalt  }
0x4d: {  	_ =	shalt  }
0x4e: {  	_ =	shalt  }
0x4f: {  	_ =	shalt  }
0x50: {  	_ =	shalt  }
0x51: {  	_ =	shalt  }
0x52: {  	_ =	shalt  }
0x53: {  	_ =	shalt  }
0x54: {  	_ =	shalt  }
0x55: {  	_ =	shalt  }
0x56: {  	_ =	shalt  }
0x57: {  	_ =	shalt  }
0x58: {  	_ =	shalt  }
0x59: {  	_ =	shalt  }
0x5a: {  	_ =	shalt  }
0x5b: {  	_ =	shalt  }
0x5c: {  	_ =	shalt  }
0x5d: {  	_ =	shalt  }
0x5e: {  	_ =	shalt  }
0x5f: {  	_ =	shalt  }
0x60: {  	_ =	shalt  }
0x61: {  	_ =	shalt  }
0x62: {  	_ =	shalt  }
0x63: {  	_ =	shalt  }
0x64: {  	_ =	shalt  }
0x65: {  	_ =	shalt  }
0x66: {  	_ =	shalt  }
0x67: {  	_ =	shalt  }
0x68: {  	_ =	shalt  }
0x69: {  	_ =	shalt  }
0x6a: {  	_ =	shalt  }
0x6b: {  	_ =	shalt  }
0x6c: {  	_ =	shalt  }
0x6d: {  	_ =	shalt  }
0x6e: {  	_ =	shalt  }
0x6f: {  	_ =	shalt  }
0x70: {  	_ =	shalt  }
0x71: {  	_ =	shalt  }
0x72: {  	_ =	shalt  }
0x73: {  	_ =	shalt  }
0x74: {  	_ =	shalt  }
0x75: {  	_ =	shalt  }
0x76: {  	_ =	shalt  }
0x77: {  	_ =	shalt  }
0x78: {  	_ =	shalt  }
0x79: {  	_ =	shalt  }
0x7a: {  	_ =	shalt  }
0x7b: {  	_ =	shalt  }
0x7c: {  	_ =	shalt  }
0x7d: {  	_ =	shalt  }
0x7e: {  	_ =	shalt  }
0x7f: {  	_ =	shalt  }
0x80: {  	_ =	shalt  }
0x81: {  	_ =	shalt  }
0x82: {  	_ =	shalt  }
0x83: {  	_ =	shalt  }
0x84: {  	_ =	shalt  }
0x85: {  	_ =	shalt  }
0x86: {  	_ =	shalt  }
0x87: {  	_ =	shalt  }
.Lfunc_end0:
.L_simem_size_0:
called_computation_lowered:
.L_overlay_start_0:
0x88: {  	s2 =	sld [smem:$0x3FD9]  }
0x89: {  	s3 =	sld [smem:$0x3FFE];
	_ =	sdelay $0x1  }
0x8a: {  	s1 =	srdreg.scid  }
0x8b: {  	s0 =	sand.u32 $0x1, s1  }
0x8c: {  	s17 =	sshll.u32 s0, $0xA;
	s2 =	sadd.s32 s3, s2  }
0x8d: {  	s2 =	sadd.s32 s2, s17  }
0x8e: {  	[smem:$0x3FC0] =	sst s2  }
0x8f: {  	_ = 	snop  }
0x90: {  	s2 =	sld [smem:$0x3FD0];
	(tm) =	ssettm $0x1  }
0x91: {  	s18 =	sld [smem:$0x3FFB];
	_ =	sdelay $0x3  }
0x92: {  	_ =	strace s18  }
0x93: {  	s3 =	sld [smem:$0x3FFC];
	_ =	sdelay $0x3  }
0x94: {  	_ =	strace s3  }
0x95: {  	s3 =	sld [smem:$0x3FFD];
	_ =	sdelay $0x3  }
0x96: {  	_ =	strace s3  }
0x97: {  	_ =	strace $0x8FFFFFFF  }
0x98: {  	s19 =	sld [smem:$0x3FDB];
	_ =	sdelay $0x1  }
0x99: {  	s4 =	simm.s32 $_scs_section_size  }
0x9a: {  	s5 =	simm.s32 $_size__tile_overlayer_lowered;
	s6 =	simm.s32 $_tile_overlayer_lowered  }
0x9b: {  	s22 =	simm.s32 $0x1BFF;
	s21 =	sshll.u32 s6, $0x1;
	s3 =	sadd.s32 s4, s19  }
0x9c: {  	s7 =	simm.s32 $0x0;
	s20 =	sshll.u32 s5, $0x1;
	s5 =	sadd.s32 s21, s3  }
0x9d: {  	[timem:s7], [sflag:s22] =	dma.local [hbm:s5], s20  }
0x9e: {  	_ =	swait.ge [sflag:s22], s20  }
0x9f: {  	s4 =	ssub.s32 $0x0, s20;
	[sflag:s22] =	ssyncset.done $0x0  }
0xa0: {  	[sflag:s22] =	ssyncadd.s32 s4;
	_ =	sdelay $0x1  }
0xa1: {  	s23 =	simm.s32 $0x1B8B  }
0xa2: {  	_ =	swait.ge [sflag:s23], $0x1  }
0xa3: {  	[sflag:s23] =	ssyncset.done $0x0  }
0xa4: {  	s25 =	simm.s32 $0x1B8E;
	s24 =	sld [smem:$0x3FFE];
	[sflag:s23] =	ssyncadd.s32 $0xFFFFFFFF  }
0xa5: {  	s26 =	simm.s32 $execute0_lowered;
	[smem:$0x3FD2] =	sst s25  }
0xa6: {  	s5 =	sshll.u32 s26, $0x1;
	_ =	strace $0x80000046;
	[dreg:$0x1] =	wrdreg $0xFFFFFFFF  }
0xa7: {  	s28 =	simm.s32 $_size_execute0_lowered;
	s3 =	sadd.s32 s3, s5;
	[dreg:$0x0] =	wrdreg $0x0  }
0xa8: {  	s5 =	sshll.u32 s28, $0x1;
	[dreg:$0x2] =	wrdreg s3  }
0xa9: {  	[dreg:$0x3] =	wrdreg s5  }
0xaa: {  	[dreg:$0x4] =	wrdreg $0xC0  }
0xab: {  	_ =	task [dreg:s7], $0x5FFFF  }
0xac: {  	[dreg:$0x1] =	wrdreg $0xFFFFFFFF  }
0xad: {  	[dreg:$0x0] =	wrdreg $0x60  }
0xae: {  	[dreg:$0x2] =	wrdreg s24  }
0xaf: {  	[dreg:$0x3] =	wrdreg s2  }
0xb0: {  	[dreg:$0x4] =	wrdreg $0x14800  }
0xb1: {  	[dreg:$0x5] =	wrdreg $0x9  }
0xb2: {  	_ =	task.clear_ibuf [dreg:s7], $0x6FFFF;
	_ =	strace $0x90000046  }
0xb3: {  	s29 =	simm.s32 $0x9;
	_ =	strace $0x80000048  }
0xb4: {  	_ =	swait.ge [sflag:s29], $0x1  }
0xb5: {  	[sflag:s29] =	ssyncadd.s32 $0xFFFFFFFF  }
0xb6: {  	_ =	strace $0x90000048  }
0xb7: {  	_ =	sfence  }
0xb8: {  	s30 =	sld [smem:$0x0];
	_ =	sdelay $0x2  }
0xb9: {  	s31 =	sshll.u32 s1, $0xD;
	s1 =	sshrl.u32 s1, $0x2  }
0xba: {  	s3 =	sand.u32 $0x4000, s31;
	s1 =	sadd.s32 s1, s30  }
0xbb: {  	s0 =	sor.u32 s3, s0;
	s1 =	sshll.u32 s1, $0x11  }
0xbc: {  	s0 =	sor.u32 s1, s0  }
0xbd: {  	s0 =	sadd.s32 $0x8F2B, s0  }
0xbe: {  	[sflag:s0] =	ssyncadd.remote.s32 $0x1  }
0xbf: {  	_ =	sfence.sel $0xFFFF  }
0xc0: {  	[dreg:$0x0] =	wrdreg $0xFFFFFFFF;
	(pc) =	sbr.abs _section_cstart, $3  }
0xc1: {  	[dreg:$0x1] =	wrdreg $0xFFFFFFFF  }
0xc2: {  	_ =	task.clear_ibuf [dreg:s7], $0x2FFFF;
	_ =	strace $0x9FFFFFFF  }
0xc3: {  	(tm) =	ssettm $0x7FFFFFFF  }
tec
execute0_lowered:
.L_overlay_start_1:
0x0: {  	(tag) =	ssettag $0x1  }
0x1: {  	s4 =	rddreg [dreg:$0x0]  }
0x2: {  	s7 =	rddreg [dreg:$0x1];
	s1 =	srdreg.scid  }
0x3: {  	s0 =	stileid.u32;
	s2 =	rddreg [dreg:$0x2];
	s3 =	simm.s32 $0x0  }
0x4: {  	s12 =	simm.s32 $0x1400;
	s13 =	simm.s32 $0x1;
	s14 =	simm.s32 $0x2  }
0x5: {  	s15 =	simm.s32 $0x20;
	s16 =	simm.s32 $0x10;
	s17 =	simm.s32 $0x0  }
0x6: {  	s5 =	sand.u32 $0x1, s1;
	s1 =	rddreg [dreg:$0x3];
	s9 =	smul.u32 $0xA00, s0  }
0x7: {  	s6 =	sshll.u32 s0, $0x1;
	[smem:$0x7FF] =	sst s3;
	s11 =	smul.u32 $0x500, s0  }
0x8: {  	s30 =	sshll.u32 s0, $0x6;
	s6 =	sor.u32 s5, s6;
	_ =	strace $0x80000047  }
0x9: {  	s8 =	ssub.s32 $0x2, s5;
	s5 =	sshll.u32 s5, $0x7;
	s6 =	smul.u32 $0x280, s6  }
0xa: {  	s10 =	sshrl.u32 s8, $0x1;
	s9 =	sshrl.u32 s9, $0x2;
	s11 =	sor.u32 s5, s11  }
0xb: {  	s5 =	sor.u32 $0x1C03, s30;
	s8 =	ssub.s32 s8, s10;
	s9 =	sadd.s32 s9, s2  }
0xc: {  	s31 =	sshrl.u32 s11, $0x3;
	s10 =	simm.s32 $0x3;
	s11 =	simm.s32 $0x80  }
0xd: {  	s6 =	sadd.s32 s6, s4;
	s4 =	sadd.s32 $0x6800, s4;
	s7 =	sadd.s32 s7, s31  }
0xe: {  	v0 =	vimm.f32 $1.000000000e+00;
	s8 =	smax.u32 s8, $0x1;
	s9 =	sshrl.u32 s9, $0x3;
	s6 =	sadd.s32 $0x1800, s6  }
.LBB2_1:
0xf: {  	[tilespmem:$0x1400] =	vst v0  }
0x10: {  	[tilespmem:$0x1410] =	vst v0  }
0x11: {  	[tilespmem:$0x1420] =	vst v0  }
0x12: {  	[tilespmem:$0x1430] =	vst v0  }
0x13: {  	[tilespmem:$0x1440] =	vst v0  }
0x14: {  	[tilespmem:$0x1450] =	vst v0  }
0x15: {  	[tilespmem:$0x1460] =	vst v0  }
0x16: {  	[tilespmem:$0x1470] =	vst v0  }
0x17: {  	[spmem:s9], [sflag:s5] =	dma.local [hbm:s4], $0x50  }
0x18: {  	_ =	swait.ge [sflag:s10], $0x50  }
0x19: {  	[sflag:s10] =	ssyncset.done $0x0  }
0x1a: {  	[sflag:s10] =	ssyncadd.s32 $0xFFFFFFB0  }
0x1b: {  	[tilespmem:s3], [sflag:$0x3] =	stream.linear.gather [hbm4b:s6+s3], $0x1400, $0x38;
	[tilespmem:$0x1700] =	vst v63  }
0x1c: {  	_ =	swait.ge [sflag:s10], $0x1400  }
0x1d: {  	[sflag:s10] =	ssyncset.done $0x0  }
0x1e: {  	[sflag:s10] =	ssyncadd.s32 $0xFFFFEC00  }
0x1f: {  	[bflag:$0x0] =	sbarrier.arrive $0xFFFF  }
0x20: {  	[spmem:s2] =	stream.indirect.scatter.add.f32 [tilespmem:s12], [sflag:$0x1], $0x1, s3, s11, $0xb8;
	[tilespmem:$0x1700] =	vst v63  }
0x21: {  	_ = 	snop  }
0x22: {  	[spmem:s2] =	stream.indirect.scatter.add.f32 [tilespmem:s12], [sflag:$0x2], $0x1, s11, s11, $0xb8;
	[tilespmem:$0x1700] =	vst v63  }
0x23: {  	_ =	swait.ge [sflag:s13], $0x80  }
0x24: {  	[sflag:s13] =	ssyncset.done $0x0  }
0x25: {  	s18 =	simm.s32 $0x100;
	[sflag:s13] =	ssyncadd.s32 $0xFFFFFF80  }
0x26: {  	[spmem:s2] =	stream.indirect.scatter.add.f32 [tilespmem:s12], [sflag:$0x1], $0x1, s18, s11, $0xb8;
	[tilespmem:$0x1700] =	vst v63  }
0x27: {  	_ =	swait.ge [sflag:s14], $0x80  }
0x28: {  	[sflag:s14] =	ssyncset.done $0x0  }
0x29: {  	s19 =	simm.s32 $0x180;
	s18 =	simm.s32 $0xFFFFB800;
	[sflag:s14] =	ssyncadd.s32 $0xFFFFFF80  }
.LBB2_2:
0x2a: {  	[spmem:s2] =	stream.indirect.scatter.add.f32 [tilespmem:s12], [sflag:$0x2], $0x1, s19, s11, $0xb8;
	[tilespmem:$0x1700] =	vst v63  }
0x2b: {  	s19 =	smov.u32 s18  }
0x2c: {  	p0 =	sne.s32 s18, $0xFFFFFC00;
	s18 =	sadd.s32 $0x400, s18;
	_ =	swait.ge [sflag:s13], $0x80  }
0x2d: {  	s19 =	sshra.s32 s19, $0x2;
	[sflag:s13] =	ssyncset.done $0x0  }
.Ltmp0:
0x2e: {  	s20 =	sadd.s32 $0x1400, s19;
	[sflag:s13] =	ssyncadd.s32 $0xFFFFFF80;
	(pc) =	sbr.rel @p0 .LBB2_2-.Ltmp0, $4  }
0x2f: {  	[spmem:s2] =	stream.indirect.scatter.add.f32 [tilespmem:s12], [sflag:$0x1], $0x1, s20, s11, $0xb8;
	[tilespmem:$0x1700] =	vst v63  }
0x30: {  	_ =	swait.ge [sflag:s14], $0x80  }
0x31: {  	[sflag:s14] =	ssyncset.done $0x0  }
0x32: {  	s19 =	sadd.s32 $0x1480, s19;
	[sflag:s14] =	ssyncadd.s32 $0xFFFFFF80  }
0x33: {  	[spmem:s2] =	stream.indirect.scatter.add.f32 [tilespmem:s12], [sflag:$0x2], $0x1, s19, s11, $0xb8;
	[tilespmem:$0x1700] =	vst v63  }
0x34: {  	_ =	swait.ge [sflag:s13], $0x80  }
0x35: {  	[sflag:s13] =	ssyncset.done $0x0  }
0x36: {  	[sflag:s13] =	ssyncadd.s32 $0xFFFFFF80  }
0x37: {  	_ =	swait.ge [sflag:s14], $0x80  }
0x38: {  	s17 =	sadd.s32 $0x1, s17;
	[sflag:s14] =	ssyncset.done $0x0  }
0x39: {  	p0 =	sne.s32 s17, s8;
	[sflag:s14] =	ssyncadd.s32 $0xFFFFFF80  }
.Ltmp1:
0x3a: {  	[bflag:$0x0] =	sbarrier.arrive $0xFFFF;
	(pc) =	sbr.rel @p0 .LBB2_1-.Ltmp1, $4  }
0x3b: {  	[hbm:s7@s15], [sflag:s5] =	dma.strided [spmem:s9@s16], $0x50, s13, $0x10   }
0x3c: {  	_ =	swait.ge [sflag:s10], $0x50  }
0x3d: {  	[sflag:s10] =	ssyncset.done $0x0  }
0x3e: {  	[sflag:s10] =	ssyncadd.s32 $0xFFFFFFB0  }
0x3f: {  	_ =	sfence.sel $0x180000  }
0x40: {  	[bflag:$0x0] =	sbarrier.arrive $0xFFFF  }
0x41: {  	p0 =	sne.s32 s0, $0x0;
	_ =	strace $0x90000047  }
0x42: {  	s0 =	sadd.s32 @!p0 $0x100000, s1;
	[bflag:$0x2] =	sbarrier.arrive $0xFFFF  }
0x43: {  	[sflag:s0] =	ssyncadd.tile.s32 @!p0 $0x1;
	_ =	shalt  }
.Lfunc_end2:
_tile_overlayer_lowered:
.L_overlay_start_2:
0x44: {  	(tag) =	ssettag $0x2  }
0x45: {  	s0 =	rddreg [dreg:$0x0];
	s2 =	stileid.u32  }
0x46: {  	s1 =	rddreg [dreg:$0x1];
	p0 =	sne.s32 s2, $0x0  }
0x47: {  	s3 =	rddreg [dreg:$0x2];
	[bflag:$0x3] =	sbarrier.arrive $0xFFFF;
	s2 =	simm.s32 @!p0 $0x1C03  }
0x48: {  	[timem:s3], [sflag:s2] =	dma.local @!p0 [hbm:s0], s1  }
0x49: {  	s0 =	simm.s32 @!p0 $0x3  }
0x4a: {  	_ =	swait.ge @!p0 [sflag:s0], s1  }
0x4b: {  	s1 =	ssub.s32 @!p0 $0x0, s1;
	[sflag:s0] =	ssyncset.done @!p0 $0x0  }
0x4c: {  	[sflag:s0] =	ssyncadd.s32 @!p0 s1  }
0x4d: {  	[bflag:$0x3] =	sbarrier.arrive $0xFFFF  }
0x4e: {  	_ =	shalt  }

// kernel: kernel.9.cloned.1.call-start
scs
__scs_entry_jumppad:
0x0: {  	(pc) =	sbr.rel $0x88, $3  }
0x1: {  	(tag) =	ssettag $0x0;
	lr =	simm.s32 $0x1  }
0x2: {  	[smem:$0x3F99] =	sst lr;
	_ =	strace $0xD0000000  }
0x3: {  	_ = 	snop  }
0x4: {  	_ = 	snop  }
0x5: {  	_ = 	snop  }
0x6: {  	_ = 	snop  }
0x7: {  	_ = 	snop  }
__scs_overlays_trampoline_lowered:
0x8: {  	[smem:$0x3FA8] =	sst s0  }
0x9: {  	[smem:$0x3FA9] =	sst s1  }
0xa: {  	[smem:$0x3FAA] =	sst s2  }
0xb: {  	[smem:$0x3FAB] =	sst s3  }
0xc: {  	[smem:$0x3FAC] =	sst s4  }
0xd: {  	[smem:$0x3FAD] =	sst s5  }
0xe: {  	[smem:$0x3FAE] =	sst s6  }
0xf: {  	[smem:$0x3FAF] =	sst s7  }
0x10: {  	[smem:$0x3FB0] =	sst s8  }
0x11: {  	[smem:$0x3FB1] =	sst s9;
	s0 =	simm.s32 @!p0 $0x0  }
0x12: {  	s1 =	sld [smem:$0x3F97];
	s0 =	simm.s32 @p0 $0x1  }
0x13: {  	[smem:$0x3FB2] =	sst s0;
	s0 =	simm.s32 @!p1 $0x0  }
0x14: {  	s2 =	sld [smem:$0x3F96];
	s0 =	simm.s32 @p1 $0x1  }
0x15: {  	[smem:$0x3FB3] =	sst s0;
	s0 =	simm.s32 @!p2 $0x0  }
0x16: {  	s3 =	sld [smem:$0x3FDB];
	s0 =	simm.s32 @p2 $0x1  }
0x17: {  	s4 =	simm.s32 $0x1BF5;
	[smem:$0x3FB5] =	sst s0  }
0x18: {  	s0 =	sld [smem:$0x3F98];
	_ =	swait.ge [sflag:s4], $0x0  }
0x19: {  	s7 =	sld [smem:$0x3F99]  }
0x1a: {  	s8 =	sadd.s32 $0xFFFFE003, lr  }
0x1b: {  	s9 =	sadd.s32 $0xFFFFFEF7, lr;
	s5 =	simm.s32 $0xFFFFFFFF;
	p2 =	slt.u32 s8, $0xFFFFF086  }
0x1c: {  	p1 =	slt.u32 s9, $0xF7A;
	s5 =	simm.s32 @!p2 $0x0  }
0x1d: {  	s5 =	simm.s32 @p1 $0x1;
	p0 =	seq.s32 s7, s2  }
0x1e: {  	s7 =	smul.u32 @!p0 $0xF7A, s2;
	p2 =	seq.s32 @!p0 s5, $0x0  }
0x1f: {  	s9 =	smul.u32 $0xF7A, s1;
	s8 =	simm.s32 @!p0 $0x1BF5;
	p2 =	por !p2, p0  }
0x20: {  	[sflag:s8] =	ssyncset.s32 @!p0 $0xFFFFF086;
	s6 =	sadd.s32 @!p0 s3, s7;
	s7 =	simm.s32 @!p0 $0x108  }
0x21: {  	s3 =	sadd.s32 s3, s9;
	s6 =	sadd.s32 @!p0 $0x88, s6;
	s7 =	simm.s32 @p2 $0x1082  }
0x22: {  	[simem:s7], [sflag:s8] =	dma.local @!p0 [hbm:s6], $0xF7A  }
0x23: {  	s9 =	sor.u32 $0xD0000000, s2;
	s6 =	simm.s32 $0x108;
	_ =	swait.ge @!p0 [sflag:s8], $0x0  }
0x24: {  	s3 =	sadd.s32 $0x88, s3;
	s6 =	simm.s32 @!p1 $0x1082;
	[sflag:s4] =	ssyncset.s32 $0xFFFFF086  }
0x25: {  	[simem:s6], [sflag:s4] =	dma.local [hbm:s3], $0xF7A  }
0x26: {  	[smem:$0x3F99] =	sst s1;
	(tag) =	ssettag s2;
	_ =	strace s9  }
0x27: {  	s1 =	sld [smem:$0x3FA9]  }
0x28: {  	s2 =	sld [smem:$0x3FAA]  }
0x29: {  	s4 =	sld [smem:$0x3FAC]  }
0x2a: {  	p0 =	seq.s32 s5, $0x0;
	s5 =	sld [smem:$0x3FAD]  }
0x2b: {  	s6 =	sld [smem:$0x3FAE]  }
0x2c: {  	s7 =	sld [smem:$0x3FAF]  }
0x2d: {  	s3 =	simm.s32 $0x108;
	s8 =	sld [smem:$0x3FB0]  }
0x2e: {  	s3 =	simm.s32 @!p0 $0x1082;
	s9 =	sld [smem:$0x3FB1]  }
0x2f: {  	lr =	sadd.s32 s0, s3;
	s0 =	sld [smem:$0x3FA8]  }
0x30: {  	s3 =	sld [smem:$0x3FAB]  }
0x31: {  	[smem:$0x3FB4] =	sst s10  }
0x32: {  	s10 =	sld [smem:$0x3FB2];
	_ =	sdelay $0x3  }
0x33: {  	p0 =	seq.s32 s10, $0x1;
	s10 =	sld [smem:$0x3FB4];
	_ =	sdelay $0x3  }
0x34: {  	[smem:$0x3FB4] =	sst s10  }
0x35: {  	s10 =	sld [smem:$0x3FB3];
	_ =	sdelay $0x3  }
0x36: {  	p1 =	seq.s32 s10, $0x1;
	s10 =	sld [smem:$0x3FB4];
	_ =	sdelay $0x3  }
0x37: {  	[smem:$0x3FB4] =	sst s10  }
0x38: {  	s10 =	sld [smem:$0x3FB5]  }
0x39: {  	_ = 	snop;
	(pc) =	sbr.ind lr, $3  }
0x3a: {  	_ = 	snop  }
0x3b: {  	_ = 	snop  }
0x3c: {  	p2 =	seq.s32 s10, $0x1;
	s10 =	sld [smem:$0x3FB4]  }
0x3d: {  	_ =	shalt  }
0x3e: {  	_ =	shalt  }
0x3f: {  	_ =	shalt  }
0x40: {  	_ =	shalt  }
0x41: {  	_ =	shalt  }
0x42: {  	_ =	shalt  }
0x43: {  	_ =	shalt  }
0x44: {  	_ =	shalt  }
0x45: {  	_ =	shalt  }
0x46: {  	_ =	shalt  }
0x47: {  	_ =	shalt  }
0x48: {  	_ =	shalt  }
0x49: {  	_ =	shalt  }
0x4a: {  	_ =	shalt  }
0x4b: {  	_ =	shalt  }
0x4c: {  	_ =	shalt  }
0x4d: {  	_ =	shalt  }
0x4e: {  	_ =	shalt  }
0x4f: {  	_ =	shalt  }
0x50: {  	_ =	shalt  }
0x51: {  	_ =	shalt  }
0x52: {  	_ =	shalt  }
0x53: {  	_ =	shalt  }
0x54: {  	_ =	shalt  }
0x55: {  	_ =	shalt  }
0x56: {  	_ =	shalt  }
0x57: {  	_ =	shalt  }
0x58: {  	_ =	shalt  }
0x59: {  	_ =	shalt  }
0x5a: {  	_ =	shalt  }
0x5b: {  	_ =	shalt  }
0x5c: {  	_ =	shalt  }
0x5d: {  	_ =	shalt  }
0x5e: {  	_ =	shalt  }
0x5f: {  	_ =	shalt  }
0x60: {  	_ =	shalt  }
0x61: {  	_ =	shalt  }
0x62: {  	_ =	shalt  }
0x63: {  	_ =	shalt  }
0x64: {  	_ =	shalt  }
0x65: {  	_ =	shalt  }
0x66: {  	_ =	shalt  }
0x67: {  	_ =	shalt  }
0x68: {  	_ =	shalt  }
0x69: {  	_ =	shalt  }
0x6a: {  	_ =	shalt  }
0x6b: {  	_ =	shalt  }
0x6c: {  	_ =	shalt  }
0x6d: {  	_ =	shalt  }
0x6e: {  	_ =	shalt  }
0x6f: {  	_ =	shalt  }
0x70: {  	_ =	shalt  }
0x71: {  	_ =	shalt  }
0x72: {  	_ =	shalt  }
0x73: {  	_ =	shalt  }
0x74: {  	_ =	shalt  }
0x75: {  	_ =	shalt  }
0x76: {  	_ =	shalt  }
0x77: {  	_ =	shalt  }
0x78: {  	_ =	shalt  }
0x79: {  	_ =	shalt  }
0x7a: {  	_ =	shalt  }
0x7b: {  	_ =	shalt  }
0x7c: {  	_ =	shalt  }
0x7d: {  	_ =	shalt  }
0x7e: {  	_ =	shalt  }
0x7f: {  	_ =	shalt  }
0x80: {  	_ =	shalt  }
0x81: {  	_ =	shalt  }
0x82: {  	_ =	shalt  }
0x83: {  	_ =	shalt  }
0x84: {  	_ =	shalt  }
0x85: {  	_ =	shalt  }
0x86: {  	_ =	shalt  }
0x87: {  	_ =	shalt  }
.Lfunc_end0:
.L_simem_size_0:
called_computation.1_lowered:
.L_overlay_start_0:
0x88: {  	s2 =	sld [smem:$0x3FD9]  }
0x89: {  	s3 =	sld [smem:$0x3FFE];
	_ =	sdelay $0x1  }
0x8a: {  	s1 =	srdreg.scid  }
0x8b: {  	s0 =	sand.u32 $0x1, s1  }
0x8c: {  	s17 =	sshll.u32 s0, $0xA;
	s2 =	sadd.s32 s3, s2  }
0x8d: {  	s2 =	sadd.s32 s2, s17  }
0x8e: {  	[smem:$0x3FC0] =	sst s2  }
0x8f: {  	_ = 	snop  }
0x90: {  	s2 =	sld [smem:$0x3FD0];
	(tm) =	ssettm $0x1  }
0x91: {  	s18 =	sld [smem:$0x3FFB];
	_ =	sdelay $0x3  }
0x92: {  	_ =	strace s18  }
0x93: {  	s3 =	sld [smem:$0x3FFC];
	_ =	sdelay $0x3  }
0x94: {  	_ =	strace s3  }
0x95: {  	s3 =	sld [smem:$0x3FFD];
	_ =	sdelay $0x3  }
0x96: {  	_ =	strace s3  }
0x97: {  	_ =	strace $0x8FFFFFFF  }
0x98: {  	s19 =	sld [smem:$0x3FDB];
	_ =	sdelay $0x1  }
0x99: {  	s4 =	simm.s32 $_scs_section_size  }
0x9a: {  	s5 =	simm.s32 $_size__tile_overlayer_lowered;
	s6 =	simm.s32 $_tile_overlayer_lowered  }
0x9b: {  	s22 =	simm.s32 $0x1BFF;
	s21 =	sshll.u32 s6, $0x1;
	s3 =	sadd.s32 s4, s19  }
0x9c: {  	s7 =	simm.s32 $0x0;
	s20 =	sshll.u32 s5, $0x1;
	s5 =	sadd.s32 s21, s3  }
0x9d: {  	[timem:s7], [sflag:s22] =	dma.local [hbm:s5], s20  }
0x9e: {  	_ =	swait.ge [sflag:s22], s20  }
0x9f: {  	s4 =	ssub.s32 $0x0, s20;
	[sflag:s22] =	ssyncset.done $0x0  }
0xa0: {  	[sflag:s22] =	ssyncadd.s32 s4;
	_ =	sdelay $0x1  }
0xa1: {  	s23 =	simm.s32 $0x1B8B  }
0xa2: {  	_ =	swait.ge [sflag:s23], $0x1  }
0xa3: {  	[sflag:s23] =	ssyncset.done $0x0  }
0xa4: {  	s25 =	simm.s32 $0x1B8E;
	s24 =	sld [smem:$0x3FFE];
	[sflag:s23] =	ssyncadd.s32 $0xFFFFFFFF  }
0xa5: {  	s26 =	simm.s32 $execute0_lowered;
	[smem:$0x3FD2] =	sst s25  }
0xa6: {  	s5 =	sshll.u32 s26, $0x1;
	_ =	strace $0x80000049;
	[dreg:$0x1] =	wrdreg $0xFFFFFFFF  }
0xa7: {  	s28 =	simm.s32 $_size_execute0_lowered;
	s3 =	sadd.s32 s3, s5;
	[dreg:$0x0] =	wrdreg $0x0  }
0xa8: {  	s5 =	sshll.u32 s28, $0x1;
	[dreg:$0x2] =	wrdreg s3  }
0xa9: {  	[dreg:$0x3] =	wrdreg s5  }
0xaa: {  	[dreg:$0x4] =	wrdreg $0xC0  }
0xab: {  	_ =	task [dreg:s7], $0x5FFFF  }
0xac: {  	[dreg:$0x1] =	wrdreg $0xFFFFFFFF  }
0xad: {  	[dreg:$0x0] =	wrdreg $0x60  }
0xae: {  	[dreg:$0x2] =	wrdreg s24  }
0xaf: {  	[dreg:$0x3] =	wrdreg s2  }
0xb0: {  	[dreg:$0x4] =	wrdreg $0xA0000  }
0xb1: {  	[dreg:$0x5] =	wrdreg $0x9  }
0xb2: {  	_ =	task.clear_ibuf [dreg:s7], $0x6FFFF;
	_ =	strace $0x90000049  }
0xb3: {  	s29 =	simm.s32 $0x9;
	_ =	strace $0x8000004B  }
0xb4: {  	_ =	swait.ge [sflag:s29], $0x1  }
0xb5: {  	[sflag:s29] =	ssyncadd.s32 $0xFFFFFFFF  }
0xb6: {  	_ =	strace $0x9000004B  }
0xb7: {  	_ =	sfence  }
0xb8: {  	s30 =	sld [smem:$0x0];
	_ =	sdelay $0x2  }
0xb9: {  	s31 =	sshll.u32 s1, $0xD;
	s1 =	sshrl.u32 s1, $0x2  }
0xba: {  	s3 =	sand.u32 $0x4000, s31;
	s1 =	sadd.s32 s1, s30  }
0xbb: {  	s0 =	sor.u32 s3, s0;
	s1 =	sshll.u32 s1, $0x11  }
0xbc: {  	s0 =	sor.u32 s1, s0  }
0xbd: {  	s0 =	sadd.s32 $0x8F2B, s0  }
0xbe: {  	[sflag:s0] =	ssyncadd.remote.s32 $0x1  }
0xbf: {  	_ =	sfence.sel $0xFFFF  }
0xc0: {  	[dreg:$0x0] =	wrdreg $0xFFFFFFFF;
	(pc) =	sbr.abs _section_cstart, $3  }
0xc1: {  	[dreg:$0x1] =	wrdreg $0xFFFFFFFF  }
0xc2: {  	_ =	task.clear_ibuf [dreg:s7], $0x2FFFF;
	_ =	strace $0x9FFFFFFF  }
0xc3: {  	(tm) =	ssettm $0x7FFFFFFF  }
tec
execute0_lowered:
.L_overlay_start_1:
0x0: {  	(tag) =	ssettag $0x1  }
0x1: {  	s0 =	srdreg.scid;
	s1 =	rddreg [dreg:$0x0]  }
0x2: {  	s7 =	stileid.u32;
	s2 =	rddreg [dreg:$0x1]  }
0x3: {  	s3 =	rddreg [dreg:$0x2];
	s4 =	simm.s32 $0x0;
	s29 =	simm.s32 $0x8000  }
0x4: {  	s30 =	simm.s32 $0x2;
	s31 =	simm.s32 $0x6;
	s5 =	smul.u32 $0x2800, s7  }
0x5: {  	s0 =	sand.u32 $0x1, s0;
	[smem:$0x7FF] =	sst s4;
	s12 =	smul.u32 $0xA000, s7  }
0x6: {  	s16 =	sadd.s32 $0x6A00, s1;
	s6 =	smul.u32 $0x28000, s0;
	_ =	strace $0x8000004A  }
0x7: {  	s15 =	ssub.s32 $0x2, s0;
	[dreg:$0x4] =	wrdreg s16;
	s0 =	smul.u32 $0xA0000, s0  }
0x8: {  	s17 =	sshrl.u32 s15, $0x1;
	s18 =	sshrl.u32 s12, $0x1;
	s14 =	sadd.s32 $0x2000, s12  }
0x9: {  	s16 =	sadd.s32 $0x6000, s12;
	s6 =	sadd.s32 s5, s6;
	s5 =	sshrl.u32 s5, $0x3  }
0xa: {  	s13 =	ssub.s32 s15, s17;
	s19 =	sshrl.u32 s14, $0x1;
	s15 =	sadd.s32 $0x4000, s12  }
0xb: {  	s9 =	sshrl.u32 s16, $0x1;
	s17 =	sadd.s32 $0x8000, s12;
	s12 =	sadd.s32 s12, s0  }
0xc: {  	s14 =	sadd.s32 s0, s14;
	s25 =	sadd.s32 s0, s16;
	s6 =	sshrl.u32 s6, $0x3  }
0xd: {  	s5 =	sadd.s32 s5, s1;
	s7 =	sadd.s32 s19, s3;
	s8 =	sshrl.u32 s15, $0x1  }
0xe: {  	s9 =	sadd.s32 s9, s3;
	s10 =	sshrl.u32 s17, $0x1;
	s20 =	sshrl.u32 s12, $0x4  }
0xf: {  	s21 =	sshrl.u32 s14, $0x4;
	s24 =	sadd.s32 s0, s15;
	s0 =	sadd.s32 s0, s17  }
0x10: {  	s28 =	smax.u32 s13, $0x1;
	s19 =	simm.s32 $0x5000;
	s12 =	simm.s32 $0x9  }
0x11: {  	s13 =	simm.s32 $0xA;
	s14 =	simm.s32 $0x0;
	s11 =	sadd.s32 s6, s1  }
0x12: {  	s1 =	sadd.s32 $0x10C00, s1;
	s6 =	sadd.s32 s18, s3;
	s8 =	sadd.s32 s8, s3  }
0x13: {  	s10 =	sadd.s32 s10, s3;
	s5 =	sadd.s32 $0x1800, s5;
	[dreg:$0xc] =	wrdreg s28  }
0x14: {  	s0 =	sshrl.u32 s0, $0x4;
	s11 =	sadd.s32 $0x6C00, s11;
	[dreg:$0x6] =	wrdreg s5  }
0x15: {  	s22 =	sadd.s32 s1, s20;
	s23 =	sadd.s32 s1, s21;
	[dreg:$0x5] =	wrdreg s11  }
0x16: {  	s5 =	sshrl.u32 s24, $0x4;
	s0 =	sadd.s32 s1, s0;
	[dreg:$0x7] =	wrdreg s22  }
0x17: {  	s20 =	simm.s32 $0xB;
	s24 =	simm.s32 $0x3;
	[dreg:$0x8] =	wrdreg s23  }
.Ltmp0:
0x18: {  	s11 =	sshrl.u32 s25, $0x4;
	s5 =	sadd.s32 s1, s5;
	(pc) =	sbr.rel .LBB2_1-.Ltmp0, $4  }
0x19: {  	[dreg:$0xb] =	wrdreg s0;
	s22 =	simm.s32 $0x80;
	s23 =	simm.s32 $0x6000  }
0x1a: {  	s25 =	simm.s32 $0x7000;
	s0 =	simm.s32 $0x9000;
	[dreg:$0x9] =	wrdreg s5  }
0x1b: {  	s26 =	sadd.s32 s1, s11;
	s1 =	simm.s32 $0x7;
	s5 =	simm.s32 $0x5  }
0x1c: {  	s11 =	simm.s32 $0x8;
	[dreg:$0xa] =	wrdreg s26;
	s26 =	simm.s32 $0x1  }
.LBB2_4:
0x1d: {  	_ =	swait.ge [sflag:s12], $0x1000  }
0x1e: {  	[sflag:s12] =	ssyncset.done $0x0  }
0x1f: {  	[sflag:s12] =	ssyncadd.s32 $0xFFFFF000  }
0x20: {  	_ =	swait.ge [sflag:s13], $0x1000  }
0x21: {  	[sflag:s13] =	ssyncset.done $0x0  }
0x22: {  	[sflag:s13] =	ssyncadd.s32 $0xFFFFF000  }
0x23: {  	[bflag:$0x0] =	sbarrier.arrive $0xFFFF  }
0x24: {  	[tilespmem:s19], [sflag:$0xB] =	stream.linear.gather [spmem:s6], $0x1000, $0x38;
	[tilespmem:$0xF000] =	vst v63  }
0x25: {  	_ =	swait.ge [sflag:s20], $0x1000  }
0x26: {  	[sflag:s20] =	ssyncset.done $0x0  }
0x27: {  	s15 =	rddreg [dreg:$0x7];
	[sflag:s20] =	ssyncadd.s32 $0xFFFFF000  }
0x28: {  	[hbm4b:s15+s4] =	stream.linear.scatter [tilespmem:s19], [sflag:$0x1], $0x1000, $0x38;
	[tilespmem:$0xF000] =	vst v63  }
0x29: {  	_ = 	snop  }
0x2a: {  	[tilespmem:s23], [sflag:$0xB] =	stream.linear.gather [spmem:s7], $0x1000, $0x38;
	[tilespmem:$0xF000] =	vst v63  }
0x2b: {  	_ =	swait.ge [sflag:s20], $0x1000  }
0x2c: {  	[sflag:s20] =	ssyncset.done $0x0  }
0x2d: {  	s16 =	rddreg [dreg:$0x8];
	[sflag:s20] =	ssyncadd.s32 $0xFFFFF000  }
0x2e: {  	[hbm4b:s16+s4] =	stream.linear.scatter [tilespmem:s23], [sflag:$0x2], $0x1000, $0x38;
	[tilespmem:$0xF000] =	vst v63  }
0x2f: {  	_ =	swait.ge [sflag:s26], $0x1000  }
0x30: {  	[sflag:s26] =	ssyncset.done $0x0  }
0x31: {  	[sflag:s26] =	ssyncadd.s32 $0xFFFFF000  }
0x32: {  	[tilespmem:s19], [sflag:$0xB] =	stream.linear.gather [spmem:s8], $0x1000, $0x38;
	[tilespmem:$0xF000] =	vst v63  }
0x33: {  	_ =	swait.ge [sflag:s20], $0x1000  }
0x34: {  	[sflag:s20] =	ssyncset.done $0x0  }
0x35: {  	s17 =	rddreg [dreg:$0x9];
	[sflag:s20] =	ssyncadd.s32 $0xFFFFF000  }
0x36: {  	[hbm4b:s17+s4] =	stream.linear.scatter [tilespmem:s19], [sflag:$0x1], $0x1000, $0x38;
	[tilespmem:$0xF000] =	vst v63  }
0x37: {  	_ =	swait.ge [sflag:s30], $0x1000  }
0x38: {  	[sflag:s30] =	ssyncset.done $0x0  }
0x39: {  	[sflag:s30] =	ssyncadd.s32 $0xFFFFF000  }
0x3a: {  	[tilespmem:s23], [sflag:$0xB] =	stream.linear.gather [spmem:s9], $0x1000, $0x38;
	[tilespmem:$0xF000] =	vst v63  }
0x3b: {  	_ =	swait.ge [sflag:s20], $0x1000  }
0x3c: {  	[sflag:s20] =	ssyncset.done $0x0  }
0x3d: {  	s18 =	rddreg [dreg:$0xa];
	[sflag:s20] =	ssyncadd.s32 $0xFFFFF000  }
0x3e: {  	[hbm4b:s18+s4] =	stream.linear.scatter [tilespmem:s23], [sflag:$0x2], $0x1000, $0x38;
	[tilespmem:$0xF000] =	vst v63  }
0x3f: {  	_ =	swait.ge [sflag:s26], $0x1000  }
0x40: {  	[sflag:s26] =	ssyncset.done $0x0  }
0x41: {  	[sflag:s26] =	ssyncadd.s32 $0xFFFFF000  }
0x42: {  	[tilespmem:s19], [sflag:$0xB] =	stream.linear.gather [spmem:s10], $0x1000, $0x38;
	[tilespmem:$0xF000] =	vst v63  }
0x43: {  	_ =	swait.ge [sflag:s20], $0x1000  }
0x44: {  	[sflag:s20] =	ssyncset.done $0x0  }
0x45: {  	s21 =	rddreg [dreg:$0xb];
	[sflag:s20] =	ssyncadd.s32 $0xFFFFF000  }
0x46: {  	[hbm4b:s21+s4] =	stream.linear.scatter [tilespmem:s19], [sflag:$0x1], $0x1000, $0x38;
	[tilespmem:$0xF000] =	vst v63  }
0x47: {  	_ =	swait.ge [sflag:s30], $0x1000  }
0x48: {  	[sflag:s30] =	ssyncset.done $0x0  }
0x49: {  	[sflag:s30] =	ssyncadd.s32 $0xFFFFF000  }
0x4a: {  	_ =	swait.ge [sflag:s26], $0x1000  }
0x4b: {  	s14 =	sadd.s32 $0x1, s14;
	s28 =	rddreg [dreg:$0xc]  }
0x4c: {  	p0 =	sne.s32 s14, s28  }
.Ltmp1:
0x4d: {  	_ = 	snop;
	(pc) =	sbr.rel @!p0 .LBB2_5-.Ltmp1, $3  }
0x4e: {  	_ =	sdelay $0x1  }
0x4f: {  	[sflag:s26] =	ssyncset.done $0x0  }
0x50: {  	[sflag:s26] =	ssyncadd.s32 $0xFFFFF000  }
.LBB2_1:
0x51: {  	s15 =	rddreg [dreg:$0x4]  }
0x52: {  	[tilespmem:s19], [sflag:$0xB] =	stream.linear.gather [hbm4b:s15+s4], $0x1000, $0x38;
	[tilespmem:$0xF000] =	vst v63  }
0x53: {  	_ =	swait.ge [sflag:s20], $0x1000  }
0x54: {  	[sflag:s20] =	ssyncset.done $0x0  }
0x55: {  	[sflag:s20] =	ssyncadd.s32 $0xFFFFF000  }
0x56: {  	[spmem:s6] =	stream.linear.scatter [tilespmem:s19], [sflag:$0xB], $0x1000, $0x38;
	[tilespmem:$0xF000] =	vst v63  }
0x57: {  	_ =	swait.ge [sflag:s20], $0x1000  }
0x58: {  	[sflag:s20] =	ssyncset.done $0x0  }
0x59: {  	[sflag:s20] =	ssyncadd.s32 $0xFFFFF000  }
0x5a: {  	[spmem:s7] =	stream.linear.scatter [tilespmem:s19], [sflag:$0xB], $0x1000, $0x38;
	[tilespmem:$0xF000] =	vst v63  }
0x5b: {  	_ =	swait.ge [sflag:s20], $0x1000  }
0x5c: {  	[sflag:s20] =	ssyncset.done $0x0  }
0x5d: {  	[sflag:s20] =	ssyncadd.s32 $0xFFFFF000  }
0x5e: {  	[spmem:s8] =	stream.linear.scatter [tilespmem:s19], [sflag:$0xB], $0x1000, $0x38;
	[tilespmem:$0xF000] =	vst v63  }
0x5f: {  	_ =	swait.ge [sflag:s20], $0x1000  }
0x60: {  	[sflag:s20] =	ssyncset.done $0x0  }
0x61: {  	[sflag:s20] =	ssyncadd.s32 $0xFFFFF000  }
0x62: {  	[spmem:s9] =	stream.linear.scatter [tilespmem:s19], [sflag:$0xB], $0x1000, $0x38;
	[tilespmem:$0xF000] =	vst v63  }
0x63: {  	_ =	swait.ge [sflag:s20], $0x1000  }
0x64: {  	[sflag:s20] =	ssyncset.done $0x0  }
0x65: {  	[sflag:s20] =	ssyncadd.s32 $0xFFFFF000  }
0x66: {  	[spmem:s10] =	stream.linear.scatter [tilespmem:s19], [sflag:$0xB], $0x1000, $0x38;
	[tilespmem:$0xF000] =	vst v63  }
0x67: {  	_ =	swait.ge [sflag:s20], $0x1000  }
0x68: {  	[sflag:s20] =	ssyncset.done $0x0  }
0x69: {  	s18 =	rddreg [dreg:$0x5];
	[sflag:s20] =	ssyncadd.s32 $0xFFFFF000  }
0x6a: {  	[tilespmem:s4], [sflag:$0xB] =	stream.linear.gather [hbm4b:s18+s4], $0x2800, $0x38;
	[tilespmem:$0xF000] =	vst v63  }
0x6b: {  	_ =	swait.ge [sflag:s20], $0x2800  }
0x6c: {  	[sflag:s20] =	ssyncset.done $0x0  }
0x6d: {  	s16 =	simm.s32 $0x2800;
	s21 =	rddreg [dreg:$0x6];
	[sflag:s20] =	ssyncadd.s32 $0xFFFFD800  }
0x6e: {  	[tilespmem:s16], [sflag:$0xB] =	stream.linear.gather [hbm4b:s21+s4], $0x2800, $0x38;
	[tilespmem:$0xF000] =	vst v63  }
0x6f: {  	_ =	swait.ge [sflag:s20], $0x2800  }
0x70: {  	[sflag:s20] =	ssyncset.done $0x0  }
0x71: {  	[sflag:s20] =	ssyncadd.s32 $0xFFFFD800  }
0x72: {  	[bflag:$0x0] =	sbarrier.arrive $0xFFFF  }
0x73: {  	[tilespmem:s19], [sflag:$0x1] =	stream.indirect.gather [hbm4b:s2+s22], $0x20, s4, s22, $0xb8;
	[tilespmem:$0xF000] =	vst v63  }
0x74: {  	_ = 	snop  }
0x75: {  	[tilespmem:s23], [sflag:$0x2] =	stream.indirect.gather [hbm4b:s2+s22], $0x20, s22, s22, $0xb8;
	[tilespmem:$0xF000] =	vst v63  }
0x76: {  	s28 =	simm.s32 $0x100  }
0x77: {  	[tilespmem:s25], [sflag:$0x3] =	stream.indirect.gather [hbm4b:s2+s22], $0x20, s28, s22, $0xb8;
	[tilespmem:$0xF000] =	vst v63  }
0x78: {  	_ =	swait.ge [sflag:s26], $0x1000  }
0x79: {  	[sflag:s26] =	ssyncset.done $0x0  }
0x7a: {  	[sflag:s26] =	ssyncadd.s32 $0xFFFFF000  }
0x7b: {  	[spmem:s3] =	stream.indirect.scatter.add.bf16 [tilespmem:s19], [sflag:$0x6], $0x20, s16, s22, $0xb8;
	[tilespmem:$0xF000] =	vst v63  }
0x7c: {  	s16 =	simm.s32 $0x180  }
0x7d: {  	[tilespmem:s29], [sflag:$0x4] =	stream.indirect.gather [hbm4b:s2+s22], $0x20, s16, s22, $0xb8;
	[tilespmem:$0xF000] =	vst v63  }
0x7e: {  	_ =	swait.ge [sflag:s30], $0x1000  }
0x7f: {  	[sflag:s30] =	ssyncset.done $0x0  }
0x80: {  	s17 =	simm.s32 $0x2880;
	[sflag:s30] =	ssyncadd.s32 $0xFFFFF000  }
0x81: {  	[spmem:s3] =	stream.indirect.scatter.add.bf16 [tilespmem:s23], [sflag:$0x7], $0x20, s17, s22, $0xb8;
	[tilespmem:$0xF000] =	vst v63  }
0x82: {  	s18 =	simm.s32 $0x200  }
0x83: {  	[tilespmem:s0], [sflag:$0x5] =	stream.indirect.gather [hbm4b:s2+s22], $0x20, s18, s22, $0xb8;
	[tilespmem:$0xF000] =	vst v63  }
0x84: {  	_ =	swait.ge [sflag:s24], $0x1000  }
0x85: {  	[sflag:s24] =	ssyncset.done $0x0  }
0x86: {  	s21 =	simm.s32 $0x2900;
	[sflag:s24] =	ssyncadd.s32 $0xFFFFF000  }
0x87: {  	[spmem:s3] =	stream.indirect.scatter.add.bf16 [tilespmem:s25], [sflag:$0x8], $0x20, s21, s22, $0xb8;
	[tilespmem:$0xF000] =	vst v63  }
0x88: {  	_ =	swait.ge [sflag:s31], $0x1000  }
0x89: {  	[sflag:s31] =	ssyncset.done $0x0  }
0x8a: {  	s28 =	simm.s32 $0x280;
	s16 =	simm.s32 $0x4;
	[sflag:s31] =	ssyncadd.s32 $0xFFFFF000  }
0x8b: {  	[tilespmem:s19], [sflag:$0x1] =	stream.indirect.gather [hbm4b:s2+s22], $0x20, s28, s22, $0xb8;
	[tilespmem:$0xF000] =	vst v63  }
0x8c: {  	_ =	swait.ge [sflag:s16], $0x1000  }
0x8d: {  	[sflag:s16] =	ssyncset.done $0x0  }
0x8e: {  	s17 =	simm.s32 $0x2980;
	[sflag:s16] =	ssyncadd.s32 $0xFFFFF000  }
0x8f: {  	[spmem:s3] =	stream.indirect.scatter.add.bf16 [tilespmem:s29], [sflag:$0x9], $0x20, s17, s22, $0xb8;
	[tilespmem:$0xF000] =	vst v63  }
0x90: {  	_ =	swait.ge [sflag:s1], $0x1000  }
0x91: {  	[sflag:s1] =	ssyncset.done $0x0  }
0x92: {  	s18 =	simm.s32 $0x300;
	[sflag:s1] =	ssyncadd.s32 $0xFFFFF000  }
0x93: {  	[tilespmem:s23], [sflag:$0x2] =	stream.indirect.gather [hbm4b:s2+s22], $0x20, s18, s22, $0xb8;
	[tilespmem:$0xF000] =	vst v63  }
0x94: {  	_ =	swait.ge [sflag:s5], $0x1000  }
0x95: {  	[sflag:s5] =	ssyncset.done $0x0  }
0x96: {  	s21 =	simm.s32 $0x2A00;
	[sflag:s5] =	ssyncadd.s32 $0xFFFFF000  }
0x97: {  	[spmem:s3] =	stream.indirect.scatter.add.bf16 [tilespmem:s0], [sflag:$0xA], $0x20, s21, s22, $0xb8;
	[tilespmem:$0xF000] =	vst v63  }
0x98: {  	_ =	swait.ge [sflag:s11], $0x1000  }
0x99: {  	[sflag:s11] =	ssyncset.done $0x0  }
0x9a: {  	s15 =	simm.s32 $0x0;
	s28 =	simm.s32 $0x380;
	[sflag:s11] =	ssyncadd.s32 $0xFFFFF000  }
0x9b: {  	[tilespmem:s25], [sflag:$0x3] =	stream.indirect.gather [hbm4b:s2+s22], $0x20, s28, s22, $0xb8;
	[tilespmem:$0xF000] =	vst v63  }
.LBB2_2:
0x9c: {  	_ =	swait.ge [sflag:s26], $0x1000  }
0x9d: {  	s16 =	sshra.s32 s15, $0x2;
	[sflag:s26] =	ssyncset.done $0x0  }
0x9e: {  	s17 =	sadd.s32 $0x2A80, s16;
	[sflag:s26] =	ssyncadd.s32 $0xFFFFF000  }
0x9f: {  	[spmem:s3] =	stream.indirect.scatter.add.bf16 [tilespmem:s19], [sflag:$0x6], $0x20, s17, s22, $0xb8;
	[tilespmem:$0xF000] =	vst v63  }
0xa0: {  	_ =	swait.ge [sflag:s12], $0x1000  }
0xa1: {  	[sflag:s12] =	ssyncset.done $0x0  }
0xa2: {  	s21 =	sadd.s32 $0x400, s16;
	[sflag:s12] =	ssyncadd.s32 $0xFFFFF000  }
0xa3: {  	[tilespmem:s29], [sflag:$0x4] =	stream.indirect.gather [hbm4b:s2+s22], $0x20, s21, s22, $0xb8;
	[tilespmem:$0xF000] =	vst v63  }
0xa4: {  	_ =	swait.ge [sflag:s30], $0x1000  }
0xa5: {  	[sflag:s30] =	ssyncset.done $0x0  }
0xa6: {  	s28 =	sadd.s32 $0x2B00, s16;
	[sflag:s30] =	ssyncadd.s32 $0xFFFFF000  }
0xa7: {  	[spmem:s3] =	stream.indirect.scatter.add.bf16 [tilespmem:s23], [sflag:$0x7], $0x20, s28, s22, $0xb8;
	[tilespmem:$0xF000] =	vst v63  }
0xa8: {  	_ =	swait.ge [sflag:s13], $0x1000  }
0xa9: {  	[sflag:s13] =	ssyncset.done $0x0  }
0xaa: {  	s18 =	sadd.s32 $0x480, s16;
	[sflag:s13] =	ssyncadd.s32 $0xFFFFF000  }
0xab: {  	[tilespmem:s0], [sflag:$0x5] =	stream.indirect.gather [hbm4b:s2+s22], $0x20, s18, s22, $0xb8;
	[tilespmem:$0xF000] =	vst v63  }
0xac: {  	_ =	swait.ge [sflag:s24], $0x1000  }
0xad: {  	[sflag:s24] =	ssyncset.done $0x0  }
0xae: {  	s21 =	sadd.s32 $0x2B80, s16;
	[sflag:s24] =	ssyncadd.s32 $0xFFFFF000  }
0xaf: {  	[spmem:s3] =	stream.indirect.scatter.add.bf16 [tilespmem:s25], [sflag:$0x8], $0x20, s21, s22, $0xb8;
	[tilespmem:$0xF000] =	vst v63  }
0xb0: {  	_ =	swait.ge [sflag:s31], $0x1000  }
0xb1: {  	p0 =	seq.s32 s15, $0x8C00;
	[sflag:s31] =	ssyncset.done $0x0  }
0xb2: {  	s17 =	simm.s32 @p0 $0x4;
	[sflag:s31] =	ssyncadd.s32 $0xFFFFF000  }
0xb3: {  	_ =	swait.ge @p0 [sflag:s17], $0x1000  }
0xb4: {  	[sflag:s17] =	ssyncset.done @p0 $0x0  }
0xb5: {  	[sflag:s17] =	ssyncadd.s32 @p0 $0xFFFFF000;
	s17 =	sshra.s32 @p0 s15, $0x2  }
0xb6: {  	s18 =	simm.s32 @p0 $0x8000;
	s21 =	simm.s32 @p0 $0x80;
	s17 =	sadd.s32 @p0 $0x2C00, s17  }
0xb7: {  	[spmem:s3] =	stream.indirect.scatter.add.bf16 @p0 [tilespmem:s18], [sflag:$0x9], $0x20, s17, s21, $0xb8;
	[tilespmem:$0xF000] =	vst v63  }
0xb8: {  	s17 =	simm.s32 @p0 $0x7  }
0xb9: {  	_ =	swait.ge @p0 [sflag:s17], $0x1000  }
0xba: {  	[sflag:s17] =	ssyncset.done @p0 $0x0  }
0xbb: {  	[sflag:s17] =	ssyncadd.s32 @p0 $0xFFFFF000;
	s17 =	sshra.s32 @!p0 s15, $0x2  }
0xbc: {  	s28 =	simm.s32 @!p0 $0x5000;
	s21 =	simm.s32 @!p0 $0x80;
	s18 =	sadd.s32 @!p0 $0x500, s17  }
0xbd: {  	[tilespmem:s28], [sflag:$0x1] =	stream.indirect.gather @!p0 [hbm4b:s2+s21], $0x20, s18, s21, $0xb8;
	[tilespmem:$0xF000] =	vst v63  }
0xbe: {  	s18 =	simm.s32 @!p0 $0x4  }
0xbf: {  	_ =	swait.ge @!p0 [sflag:s18], $0x1000  }
0xc0: {  	[sflag:s18] =	ssyncset.done @!p0 $0x0  }
0xc1: {  	s28 =	simm.s32 @!p0 $0x8000;
	[sflag:s18] =	ssyncadd.s32 @!p0 $0xFFFFF000;
	s18 =	sadd.s32 @!p0 $0x2C00, s17  }
0xc2: {  	[spmem:s3] =	stream.indirect.scatter.add.bf16 @!p0 [tilespmem:s28], [sflag:$0x9], $0x20, s18, s21, $0xb8;
	[tilespmem:$0xF000] =	vst v63  }
0xc3: {  	s18 =	simm.s32 @!p0 $0x7  }
0xc4: {  	_ =	swait.ge @!p0 [sflag:s18], $0x1000  }
0xc5: {  	[sflag:s18] =	ssyncset.done @!p0 $0x0  }
0xc6: {  	s17 =	sadd.s32 @!p0 $0x580, s17;
	[sflag:s18] =	ssyncadd.s32 @!p0 $0xFFFFF000;
	s18 =	simm.s32 @!p0 $0x6000  }
0xc7: {  	[tilespmem:s18], [sflag:$0x2] =	stream.indirect.gather @!p0 [hbm4b:s2+s21], $0x20, s17, s21, $0xb8;
	[tilespmem:$0xF000] =	vst v63  }
0xc8: {  	_ =	swait.ge [sflag:s5], $0x1000  }
0xc9: {  	[sflag:s5] =	ssyncset.done $0x0  }
.Ltmp2:
0xca: {  	s28 =	sadd.s32 $0x2C80, s16;
	[sflag:s5] =	ssyncadd.s32 $0xFFFFF000;
	(pc) =	sbr.rel @p0 .LBB2_4-.Ltmp2, $4  }
0xcb: {  	[spmem:s3] =	stream.indirect.scatter.add.bf16 [tilespmem:s0], [sflag:$0xA], $0x20, s28, s22, $0xb8;
	[tilespmem:$0xF000] =	vst v63  }
0xcc: {  	_ =	swait.ge [sflag:s11], $0x1000  }
0xcd: {  	[sflag:s11] =	ssyncset.done $0x0  }
0xce: {  	[sflag:s11] =	ssyncadd.s32 $0xFFFFF000  }
.Ltmp3:
0xcf: {  	(pc) =	sbr.rel .LBB2_2-.Ltmp3, $3  }
0xd0: {  	_ =	sdelay $0x1  }
0xd1: {  	s16 =	sadd.s32 $0x600, s16;
	s15 =	sadd.s32 $0xA00, s15  }
0xd2: {  	[tilespmem:s25], [sflag:$0x3] =	stream.indirect.gather [hbm4b:s2+s22], $0x20, s16, s22, $0xb8;
	[tilespmem:$0xF000] =	vst v63  }
.LBB2_5:
0xd3: {  	_ =	sfence.sel $0x180000  }
0xd4: {  	[bflag:$0x0] =	sbarrier.arrive $0xFFFF  }
0xd5: {  	_ =	strace $0x9000004A  }
0xd6: {  	s0 =	stileid.u32;
	[bflag:$0x2] =	sbarrier.arrive $0xFFFF  }
0xd7: {  	p0 =	sne.s32 s0, $0x0;
	s0 =	rddreg [dreg:$0x3]  }
0xd8: {  	s0 =	sadd.s32 @!p0 $0x100000, s0  }
0xd9: {  	[sflag:s0] =	ssyncadd.tile.s32 @!p0 $0x1;
	_ =	shalt  }
.Lfunc_end2:
_tile_overlayer_lowered:
.L_overlay_start_2:
0xda: {  	(tag) =	ssettag $0x2  }
0xdb: {  	s0 =	rddreg [dreg:$0x0];
	s2 =	stileid.u32  }
0xdc: {  	s1 =	rddreg [dreg:$0x1];
	p0 =	sne.s32 s2, $0x0  }
0xdd: {  	s3 =	rddreg [dreg:$0x2];
	[bflag:$0x3] =	sbarrier.arrive $0xFFFF;
	s2 =	simm.s32 @!p0 $0x1C0B  }
0xde: {  	[timem:s3], [sflag:s2] =	dma.local @!p0 [hbm:s0], s1  }
0xdf: {  	s0 =	simm.s32 @!p0 $0xB  }
0xe0: {  	_ =	swait.ge @!p0 [sflag:s0], s1  }
0xe1: {  	s1 =	ssub.s32 @!p0 $0x0, s1;
	[sflag:s0] =	ssyncset.done @!p0 $0x0  }
0xe2: {  	[sflag:s0] =	ssyncadd.s32 @!p0 s1  }
0xe3: {  	[bflag:$0x3] =	sbarrier.arrive $0xFFFF  }
0xe4: {  	_ =	shalt  }

</sc_bundles>
